<compile_context>
chip_gen: v7x
topology: tpu7x:2x2x1
jax: 0.10.2.dev20260603
libtpu: 0.0.44.dev20260713+nightly
codegen_flags: <defaults>
</compile_context>

<pallas_src>
import functools

import jax
import jax.numpy as jnp
from jax import lax
from jax.experimental import pallas as pl
from jax.experimental.pallas import tpu as pltpu
from jax.experimental.pallas import tpu_sc as plsc

VOCAB = 1000000
EMB = 64
SEQ = 200
BATCH = 4096
NUM_CORES = 2
NUM_SUBCORES = 16
NUM_WORKERS = NUM_CORES * NUM_SUBCORES

LANES = 128
N_UNITS = SEQ

_mesh = plsc.VectorSubcoreMesh(
    core_axis_name="c", subcore_axis_name="s",
    num_cores=NUM_CORES, num_subcores=NUM_SUBCORES)


@functools.partial(
    pl.kernel,
    out_type=jax.ShapeDtypeStruct((SEQ, 8, NUM_WORKERS, 8, LANES), jnp.float32),
    mesh=_mesh,
    scratch_types=[
        pltpu.VMEM((SEQ // 8, 8, LANES), jnp.int32),
        pltpu.VMEM((2, LANES, EMB), jnp.float32),
        pltpu.VMEM((2, 8, 8, LANES + 1), jnp.float32),
        [pltpu.SemaphoreType.DMA] * 2,
        [pltpu.SemaphoreType.DMA] * 2,
    ],
    compiler_params=pltpu.CompilerParams(use_tc_tiling_on_sc=False, needs_layout_passes=False),
)
def _gather_kernel(y4_hbm, table_hbm, out_hbm, idx_all, rows, slab, gsems, ssems):
    wid = lax.axis_index("s") * NUM_CORES + lax.axis_index("c")

    def fire_gather(u, b):
        pltpu.async_copy(
            table_hbm.at[idx_all.at[u // 8, u % 8]], rows.at[b], gsems[b])

    def drain_gather(b):
        pltpu.make_async_copy(
            table_hbm.at[pl.ds(0, LANES)], rows.at[b], gsems[b]).wait()

    def fire_store(u, b):
        pltpu.async_copy(
            slab.at[b].at[:, :, pl.ds(0, LANES)],
            out_hbm.at[u].at[:, wid], ssems[b])

    def drain_store(b):
        pltpu.make_async_copy(
            slab.at[b].at[:, :, pl.ds(0, LANES)],
            out_hbm.at[0].at[:, 0], ssems[b]).wait()

    iot = lax.iota(jnp.int32, 16)
    trv = [(cb * 16 + iot) // 8 for cb in range(EMB // 16)]
    sv = [(cb * 16 + iot) % 8 for cb in range(EMB // 16)]

    def transpose(b):
        @plsc.parallel_loop(0, LANES, 1, unroll=4)
        def _l(l):
            lv = jnp.full((16,), 1, jnp.int32) * l
            for cb in range(EMB // 16):
                vals = rows[b, l, pl.ds(cb * 16, 16)]
                plsc.store_scatter(slab.at[b], [trv[cb], sv[cb], lv], vals)

    pltpu.sync_copy(y4_hbm.at[:, wid], idx_all)

    fire_gather(0, 0)
    fire_gather(1, 1)

    @pl.loop(0, N_UNITS, step=2)
    def _pair(outer):
        for b in range(2):
            u = outer + b
            drain_gather(b)

            @pl.when(u >= 2)
            def _():
                drain_store(b)

            transpose(b)
            fire_store(u, b)

            @pl.when(u + 2 < N_UNITS)
            def _():
                fire_gather(u + 2, b)

    drain_store(0)
    drain_store(1)


def kernel(x, table):
    y4 = jnp.transpose(jnp.transpose(x).reshape(SEQ // 8, 8, NUM_WORKERS, LANES),
                       (0, 2, 1, 3)).astype(jnp.int32)
    o5 = _gather_kernel(y4, table)
    return o5.transpose(2, 4, 0, 1, 3).reshape(BATCH, SEQ, EMB)

# --- scband reference (transcript-rebuilt; emitter-appended) ---
"""Pipeline reference for scband-token-embeddings-16724602651057 (READ-ONLY COPY).

The authoritative reference and input builder live on the scoring server;
editing this copy changes nothing except your own understanding.
"""

import jax, jax.numpy as jnp
import numpy as np

VOCAB = 1000000
EMB = 64

def setup_inputs(seed: int = 0) -> dict:
    key = jax.random.key(seed)
    k1, k2 = jax.random.split(key)
    x = jax.random.randint(k1, (4096, 200), 0, VOCAB, dtype=jnp.int64 if jax.config.jax_enable_x64 else jnp.int32)
    table = jax.random.normal(k2, (VOCAB, EMB), dtype=jnp.float32)
    return {"x": x, "table": table}

def reference(x, table):
    # nn.Embedding forward: gather rows of the table by index
    return jnp.take(table, x, axis=0)

if __name__ == "__main__":
    import jax
    _d = setup_inputs()
    print(jax.jit(kernel)(*tuple(_d.values())))

</pallas_src>

<mosaic_0001>
#map = affine_map<(d0, d1) -> (0, 0, 0, 0)>
#map1 = affine_map<(d0, d1) -> (0, 0)>
#map2 = affine_map<(d0, d1) -> (0, 0, 0, 0, 0)>
module attributes {stable_mosaic.version = 14 : i64} {
  func.func @_gather_kernel(%arg0: i32, %arg1: i32, %arg2: memref<25x32x8x128xi32, #tpu.memory_space<hbm>>, %arg3: memref<1000000x64xf32, #tpu.memory_space<hbm>>, %arg4: memref<200x8x32x8x128xf32, #tpu.memory_space<hbm>>, %arg5: memref<25x8x128xi32, #tpu.memory_space<vmem>>, %arg6: memref<2x128x64xf32, #tpu.memory_space<vmem>>, %arg7: memref<2x8x8x129xf32, #tpu.memory_space<vmem>>, %arg8: memref<!tpu.dma_semaphore, #tpu.memory_space<semaphore_mem>>, %arg9: memref<!tpu.dma_semaphore, #tpu.memory_space<semaphore_mem>>, %arg10: memref<!tpu.dma_semaphore, #tpu.memory_space<semaphore_mem>>, %arg11: memref<!tpu.dma_semaphore, #tpu.memory_space<semaphore_mem>>) attributes {dimension_semantics = [#tpu.dimension_semantics<core_parallel>, #tpu.dimension_semantics<subcore_parallel>], iteration_bounds = array<i64: 2, 16>, scalar_prefetch = 0 : i64, scratch_operands = 7 : i64, tpu.core_type = #tpu.core_type<sc_vector_subcore>, window_params = [{transform_indices = #map}, {transform_indices = #map1}, {transform_indices = #map2}]} {
    %mul3A = arith.constant 2 : i32
    %mul3A_0 = arith.muli %arg1, %mul3A : i32
    %add3A = arith.addi %mul3A_0, %arg0 : i32
    %iota3A = tpu.iota {dimensions = array<i32: 0>} : vector<16xi32>
    %add3A_1 = arith.constant 0 : i32
    %add3A_2 = vector.broadcast %add3A_1 : i32 to vector<16xi32>
    %add3A_3 = arith.addi %add3A_2, %iota3A : vector<16xi32>
    %jit3A = arith.constant 8 : i32
    %div3A = vector.broadcast %jit3A : i32 to vector<16xi32>
    %div3A_4 = arith.divsi %add3A_3, %div3A : vector<16xi32>
    %sign3A = arith.constant 0 : i32
    %sign3A_5 = vector.broadcast %sign3A : i32 to vector<16xi32>
    %sign3A_6 = arith.cmpi sgt, %add3A_3, %sign3A_5 : vector<16xi32>
    %sign3A_7 = arith.extui %sign3A_6 : vector<16xi1> to vector<16xi32>
    %sign3A_8 = arith.constant 0 : i32
    %sign3A_9 = vector.broadcast %sign3A_8 : i32 to vector<16xi32>
    %sign3A_10 = arith.cmpi slt, %add3A_3, %sign3A_9 : vector<16xi32>
    %sign3A_11 = arith.extui %sign3A_10 : vector<16xi1> to vector<16xi32>
    %sign3A_12 = arith.subi %sign3A_7, %sign3A_11 : vector<16xi32>
    %sign3A_13 = arith.constant 0 : i32
    %sign3A_14 = arith.cmpi sgt, %jit3A, %sign3A_13 : i32
    %sign3A_15 = arith.extui %sign3A_14 : i1 to i32
    %sign3A_16 = arith.constant 0 : i32
    %sign3A_17 = arith.cmpi slt, %jit3A, %sign3A_16 : i32
    %sign3A_18 = arith.extui %sign3A_17 : i1 to i32
    %sign3A_19 = arith.subi %sign3A_15, %sign3A_18 : i32
    %ne3A = vector.broadcast %sign3A_19 : i32 to vector<16xi32>
    %ne3A_20 = arith.cmpi ne, %sign3A_12, %ne3A : vector<16xi32>
    %rem3A = vector.broadcast %jit3A : i32 to vector<16xi32>
    %rem3A_21 = arith.remsi %add3A_3, %rem3A : vector<16xi32>
    %ne3A_22 = arith.constant 0 : i32
    %ne3A_23 = vector.broadcast %ne3A_22 : i32 to vector<16xi32>
    %ne3A_24 = arith.cmpi ne, %rem3A_21, %ne3A_23 : vector<16xi32>
    %and3A = arith.andi %ne3A_20, %ne3A_24 : vector<16xi1>
    %sub3A = arith.constant 1 : i32
    %sub3A_25 = vector.broadcast %sub3A : i32 to vector<16xi32>
    %sub3A_26 = arith.subi %div3A_4, %sub3A_25 : vector<16xi32>
    %select_n3A = arith.select %and3A, %sub3A_26, %div3A_4 : vector<16xi1>, vector<16xi32>
    %add3A_27 = arith.constant 16 : i32
    %add3A_28 = vector.broadcast %add3A_27 : i32 to vector<16xi32>
    %add3A_29 = arith.addi %add3A_28, %iota3A : vector<16xi32>
    %jit3A_30 = arith.constant 8 : i32
    %div3A_31 = vector.broadcast %jit3A_30 : i32 to vector<16xi32>
    %div3A_32 = arith.divsi %add3A_29, %div3A_31 : vector<16xi32>
    %sign3A_33 = arith.constant 0 : i32
    %sign3A_34 = vector.broadcast %sign3A_33 : i32 to vector<16xi32>
    %sign3A_35 = arith.cmpi sgt, %add3A_29, %sign3A_34 : vector<16xi32>
    %sign3A_36 = arith.extui %sign3A_35 : vector<16xi1> to vector<16xi32>
    %sign3A_37 = arith.constant 0 : i32
    %sign3A_38 = vector.broadcast %sign3A_37 : i32 to vector<16xi32>
    %sign3A_39 = arith.cmpi slt, %add3A_29, %sign3A_38 : vector<16xi32>
    %sign3A_40 = arith.extui %sign3A_39 : vector<16xi1> to vector<16xi32>
    %sign3A_41 = arith.subi %sign3A_36, %sign3A_40 : vector<16xi32>
    %sign3A_42 = arith.constant 0 : i32
    %sign3A_43 = arith.cmpi sgt, %jit3A_30, %sign3A_42 : i32
    %sign3A_44 = arith.extui %sign3A_43 : i1 to i32
    %sign3A_45 = arith.constant 0 : i32
    %sign3A_46 = arith.cmpi slt, %jit3A_30, %sign3A_45 : i32
    %sign3A_47 = arith.extui %sign3A_46 : i1 to i32
    %sign3A_48 = arith.subi %sign3A_44, %sign3A_47 : i32
    %ne3A_49 = vector.broadcast %sign3A_48 : i32 to vector<16xi32>
    %ne3A_50 = arith.cmpi ne, %sign3A_41, %ne3A_49 : vector<16xi32>
    %rem3A_51 = vector.broadcast %jit3A_30 : i32 to vector<16xi32>
    %rem3A_52 = arith.remsi %add3A_29, %rem3A_51 : vector<16xi32>
    %ne3A_53 = arith.constant 0 : i32
    %ne3A_54 = vector.broadcast %ne3A_53 : i32 to vector<16xi32>
    %ne3A_55 = arith.cmpi ne, %rem3A_52, %ne3A_54 : vector<16xi32>
    %and3A_56 = arith.andi %ne3A_50, %ne3A_55 : vector<16xi1>
    %sub3A_57 = arith.constant 1 : i32
    %sub3A_58 = vector.broadcast %sub3A_57 : i32 to vector<16xi32>
    %sub3A_59 = arith.subi %div3A_32, %sub3A_58 : vector<16xi32>
    %select_n3A_60 = arith.select %and3A_56, %sub3A_59, %div3A_32 : vector<16xi1>, vector<16xi32>
    %add3A_61 = arith.constant 32 : i32
    %add3A_62 = vector.broadcast %add3A_61 : i32 to vector<16xi32>
    %add3A_63 = arith.addi %add3A_62, %iota3A : vector<16xi32>
    %jit3A_64 = arith.constant 8 : i32
    %div3A_65 = vector.broadcast %jit3A_64 : i32 to vector<16xi32>
    %div3A_66 = arith.divsi %add3A_63, %div3A_65 : vector<16xi32>
    %sign3A_67 = arith.constant 0 : i32
    %sign3A_68 = vector.broadcast %sign3A_67 : i32 to vector<16xi32>
    %sign3A_69 = arith.cmpi sgt, %add3A_63, %sign3A_68 : vector<16xi32>
    %sign3A_70 = arith.extui %sign3A_69 : vector<16xi1> to vector<16xi32>
    %sign3A_71 = arith.constant 0 : i32
    %sign3A_72 = vector.broadcast %sign3A_71 : i32 to vector<16xi32>
    %sign3A_73 = arith.cmpi slt, %add3A_63, %sign3A_72 : vector<16xi32>
    %sign3A_74 = arith.extui %sign3A_73 : vector<16xi1> to vector<16xi32>
    %sign3A_75 = arith.subi %sign3A_70, %sign3A_74 : vector<16xi32>
    %sign3A_76 = arith.constant 0 : i32
    %sign3A_77 = arith.cmpi sgt, %jit3A_64, %sign3A_76 : i32
    %sign3A_78 = arith.extui %sign3A_77 : i1 to i32
    %sign3A_79 = arith.constant 0 : i32
    %sign3A_80 = arith.cmpi slt, %jit3A_64, %sign3A_79 : i32
    %sign3A_81 = arith.extui %sign3A_80 : i1 to i32
    %sign3A_82 = arith.subi %sign3A_78, %sign3A_81 : i32
    %ne3A_83 = vector.broadcast %sign3A_82 : i32 to vector<16xi32>
    %ne3A_84 = arith.cmpi ne, %sign3A_75, %ne3A_83 : vector<16xi32>
    %rem3A_85 = vector.broadcast %jit3A_64 : i32 to vector<16xi32>
    %rem3A_86 = arith.remsi %add3A_63, %rem3A_85 : vector<16xi32>
    %ne3A_87 = arith.constant 0 : i32
    %ne3A_88 = vector.broadcast %ne3A_87 : i32 to vector<16xi32>
    %ne3A_89 = arith.cmpi ne, %rem3A_86, %ne3A_88 : vector<16xi32>
    %and3A_90 = arith.andi %ne3A_84, %ne3A_89 : vector<16xi1>
    %sub3A_91 = arith.constant 1 : i32
    %sub3A_92 = vector.broadcast %sub3A_91 : i32 to vector<16xi32>
    %sub3A_93 = arith.subi %div3A_66, %sub3A_92 : vector<16xi32>
    %select_n3A_94 = arith.select %and3A_90, %sub3A_93, %div3A_66 : vector<16xi1>, vector<16xi32>
    %add3A_95 = arith.constant 48 : i32
    %add3A_96 = vector.broadcast %add3A_95 : i32 to vector<16xi32>
    %add3A_97 = arith.addi %add3A_96, %iota3A : vector<16xi32>
    %jit3A_98 = arith.constant 8 : i32
    %div3A_99 = vector.broadcast %jit3A_98 : i32 to vector<16xi32>
    %div3A_100 = arith.divsi %add3A_97, %div3A_99 : vector<16xi32>
    %sign3A_101 = arith.constant 0 : i32
    %sign3A_102 = vector.broadcast %sign3A_101 : i32 to vector<16xi32>
    %sign3A_103 = arith.cmpi sgt, %add3A_97, %sign3A_102 : vector<16xi32>
    %sign3A_104 = arith.extui %sign3A_103 : vector<16xi1> to vector<16xi32>
    %sign3A_105 = arith.constant 0 : i32
    %sign3A_106 = vector.broadcast %sign3A_105 : i32 to vector<16xi32>
    %sign3A_107 = arith.cmpi slt, %add3A_97, %sign3A_106 : vector<16xi32>
    %sign3A_108 = arith.extui %sign3A_107 : vector<16xi1> to vector<16xi32>
    %sign3A_109 = arith.subi %sign3A_104, %sign3A_108 : vector<16xi32>
    %sign3A_110 = arith.constant 0 : i32
    %sign3A_111 = arith.cmpi sgt, %jit3A_98, %sign3A_110 : i32
    %sign3A_112 = arith.extui %sign3A_111 : i1 to i32
    %sign3A_113 = arith.constant 0 : i32
    %sign3A_114 = arith.cmpi slt, %jit3A_98, %sign3A_113 : i32
    %sign3A_115 = arith.extui %sign3A_114 : i1 to i32
    %sign3A_116 = arith.subi %sign3A_112, %sign3A_115 : i32
    %ne3A_117 = vector.broadcast %sign3A_116 : i32 to vector<16xi32>
    %ne3A_118 = arith.cmpi ne, %sign3A_109, %ne3A_117 : vector<16xi32>
    %rem3A_119 = vector.broadcast %jit3A_98 : i32 to vector<16xi32>
    %rem3A_120 = arith.remsi %add3A_97, %rem3A_119 : vector<16xi32>
    %ne3A_121 = arith.constant 0 : i32
    %ne3A_122 = vector.broadcast %ne3A_121 : i32 to vector<16xi32>
    %ne3A_123 = arith.cmpi ne, %rem3A_120, %ne3A_122 : vector<16xi32>
    %and3A_124 = arith.andi %ne3A_118, %ne3A_123 : vector<16xi1>
    %sub3A_125 = arith.constant 1 : i32
    %sub3A_126 = vector.broadcast %sub3A_125 : i32 to vector<16xi32>
    %sub3A_127 = arith.subi %div3A_100, %sub3A_126 : vector<16xi32>
    %select_n3A_128 = arith.select %and3A_124, %sub3A_127, %div3A_100 : vector<16xi1>, vector<16xi32>
    %add3A_129 = arith.constant 0 : i32
    %add3A_130 = vector.broadcast %add3A_129 : i32 to vector<16xi32>
    %add3A_131 = arith.addi %add3A_130, %iota3A : vector<16xi32>
    %jit3A_132 = arith.constant 8 : i32
    %eq3A = arith.constant 0 : i32
    %eq3A_133 = arith.cmpi eq, %jit3A_132, %eq3A : i32
    %jit3A_134 = arith.constant 1 : i32
    %select_n3A_135 = arith.select %eq3A_133, %jit3A_134, %jit3A_132 : i32
    %rem3A_136 = vector.broadcast %select_n3A_135 : i32 to vector<16xi32>
    %rem3A_137 = arith.remsi %add3A_131, %rem3A_136 : vector<16xi32>
    %ne3A_138 = arith.constant 0 : i32
    %ne3A_139 = vector.broadcast %ne3A_138 : i32 to vector<16xi32>
    %ne3A_140 = arith.cmpi ne, %rem3A_137, %ne3A_139 : vector<16xi32>
    %lt3A = arith.constant 0 : i32
    %lt3A_141 = vector.broadcast %lt3A : i32 to vector<16xi32>
    %lt3A_142 = arith.cmpi slt, %rem3A_137, %lt3A_141 : vector<16xi32>
    %lt3A_143 = arith.constant 0 : i32
    %lt3A_144 = arith.cmpi slt, %select_n3A_135, %lt3A_143 : i32
    %ne3A_145 = vector.broadcast %lt3A_144 : i1 to vector<16xi1>
    %ne3A_146 = vector.broadcast %ne3A_145 : vector<16xi1> to vector<16xi1>
    %ne3A_147 = arith.xori %lt3A_142, %ne3A_146 : vector<16xi1>
    %and3A_148 = arith.andi %ne3A_147, %ne3A_140 : vector<16xi1>
    %add3A_149 = vector.broadcast %select_n3A_135 : i32 to vector<16xi32>
    %add3A_150 = arith.addi %rem3A_137, %add3A_149 : vector<16xi32>
    %select_n3A_151 = arith.select %and3A_148, %add3A_150, %rem3A_137 : vector<16xi1>, vector<16xi32>
    %add3A_152 = arith.constant 16 : i32
    %add3A_153 = vector.broadcast %add3A_152 : i32 to vector<16xi32>
    %add3A_154 = arith.addi %add3A_153, %iota3A : vector<16xi32>
    %jit3A_155 = arith.constant 8 : i32
    %eq3A_156 = arith.constant 0 : i32
    %eq3A_157 = arith.cmpi eq, %jit3A_155, %eq3A_156 : i32
    %jit3A_158 = arith.constant 1 : i32
    %select_n3A_159 = arith.select %eq3A_157, %jit3A_158, %jit3A_155 : i32
    %rem3A_160 = vector.broadcast %select_n3A_159 : i32 to vector<16xi32>
    %rem3A_161 = arith.remsi %add3A_154, %rem3A_160 : vector<16xi32>
    %ne3A_162 = arith.constant 0 : i32
    %ne3A_163 = vector.broadcast %ne3A_162 : i32 to vector<16xi32>
    %ne3A_164 = arith.cmpi ne, %rem3A_161, %ne3A_163 : vector<16xi32>
    %lt3A_165 = arith.constant 0 : i32
    %lt3A_166 = vector.broadcast %lt3A_165 : i32 to vector<16xi32>
    %lt3A_167 = arith.cmpi slt, %rem3A_161, %lt3A_166 : vector<16xi32>
    %lt3A_168 = arith.constant 0 : i32
    %lt3A_169 = arith.cmpi slt, %select_n3A_159, %lt3A_168 : i32
    %ne3A_170 = vector.broadcast %lt3A_169 : i1 to vector<16xi1>
    %ne3A_171 = vector.broadcast %ne3A_170 : vector<16xi1> to vector<16xi1>
    %ne3A_172 = arith.xori %lt3A_167, %ne3A_171 : vector<16xi1>
    %and3A_173 = arith.andi %ne3A_172, %ne3A_164 : vector<16xi1>
    %add3A_174 = vector.broadcast %select_n3A_159 : i32 to vector<16xi32>
    %add3A_175 = arith.addi %rem3A_161, %add3A_174 : vector<16xi32>
    %select_n3A_176 = arith.select %and3A_173, %add3A_175, %rem3A_161 : vector<16xi1>, vector<16xi32>
    %add3A_177 = arith.constant 32 : i32
    %add3A_178 = vector.broadcast %add3A_177 : i32 to vector<16xi32>
    %add3A_179 = arith.addi %add3A_178, %iota3A : vector<16xi32>
    %jit3A_180 = arith.constant 8 : i32
    %eq3A_181 = arith.constant 0 : i32
    %eq3A_182 = arith.cmpi eq, %jit3A_180, %eq3A_181 : i32
    %jit3A_183 = arith.constant 1 : i32
    %select_n3A_184 = arith.select %eq3A_182, %jit3A_183, %jit3A_180 : i32
    %rem3A_185 = vector.broadcast %select_n3A_184 : i32 to vector<16xi32>
    %rem3A_186 = arith.remsi %add3A_179, %rem3A_185 : vector<16xi32>
    %ne3A_187 = arith.constant 0 : i32
    %ne3A_188 = vector.broadcast %ne3A_187 : i32 to vector<16xi32>
    %ne3A_189 = arith.cmpi ne, %rem3A_186, %ne3A_188 : vector<16xi32>
    %lt3A_190 = arith.constant 0 : i32
    %lt3A_191 = vector.broadcast %lt3A_190 : i32 to vector<16xi32>
    %lt3A_192 = arith.cmpi slt, %rem3A_186, %lt3A_191 : vector<16xi32>
    %lt3A_193 = arith.constant 0 : i32
    %lt3A_194 = arith.cmpi slt, %select_n3A_184, %lt3A_193 : i32
    %ne3A_195 = vector.broadcast %lt3A_194 : i1 to vector<16xi1>
    %ne3A_196 = vector.broadcast %ne3A_195 : vector<16xi1> to vector<16xi1>
    %ne3A_197 = arith.xori %lt3A_192, %ne3A_196 : vector<16xi1>
    %and3A_198 = arith.andi %ne3A_197, %ne3A_189 : vector<16xi1>
    %add3A_199 = vector.broadcast %select_n3A_184 : i32 to vector<16xi32>
    %add3A_200 = arith.addi %rem3A_186, %add3A_199 : vector<16xi32>
    %select_n3A_201 = arith.select %and3A_198, %add3A_200, %rem3A_186 : vector<16xi1>, vector<16xi32>
    %add3A_202 = arith.constant 48 : i32
    %add3A_203 = vector.broadcast %add3A_202 : i32 to vector<16xi32>
    %add3A_204 = arith.addi %add3A_203, %iota3A : vector<16xi32>
    %jit3A_205 = arith.constant 8 : i32
    %eq3A_206 = arith.constant 0 : i32
    %eq3A_207 = arith.cmpi eq, %jit3A_205, %eq3A_206 : i32
    %jit3A_208 = arith.constant 1 : i32
    %select_n3A_209 = arith.select %eq3A_207, %jit3A_208, %jit3A_205 : i32
    %rem3A_210 = vector.broadcast %select_n3A_209 : i32 to vector<16xi32>
    %rem3A_211 = arith.remsi %add3A_204, %rem3A_210 : vector<16xi32>
    %ne3A_212 = arith.constant 0 : i32
    %ne3A_213 = vector.broadcast %ne3A_212 : i32 to vector<16xi32>
    %ne3A_214 = arith.cmpi ne, %rem3A_211, %ne3A_213 : vector<16xi32>
    %lt3A_215 = arith.constant 0 : i32
    %lt3A_216 = vector.broadcast %lt3A_215 : i32 to vector<16xi32>
    %lt3A_217 = arith.cmpi slt, %rem3A_211, %lt3A_216 : vector<16xi32>
    %lt3A_218 = arith.constant 0 : i32
    %lt3A_219 = arith.cmpi slt, %select_n3A_209, %lt3A_218 : i32
    %ne3A_220 = vector.broadcast %lt3A_219 : i1 to vector<16xi1>
    %ne3A_221 = vector.broadcast %ne3A_220 : vector<16xi1> to vector<16xi1>
    %ne3A_222 = arith.xori %lt3A_217, %ne3A_221 : vector<16xi1>
    %and3A_223 = arith.andi %ne3A_222, %ne3A_214 : vector<16xi1>
    %add3A_224 = vector.broadcast %select_n3A_209 : i32 to vector<16xi32>
    %add3A_225 = arith.addi %rem3A_211, %add3A_224 : vector<16xi32>
    %select_n3A_226 = arith.select %and3A_223, %add3A_225, %rem3A_211 : vector<16xi1>, vector<16xi32>
    "tpu.region"() ({
      %run_scoped3A = tpu.sem_alloc : memref<!tpu.dma_semaphore, #tpu.memory_space<semaphore_mem>>
      %dma_start3A_341 = arith.constant 0 : i32
      %dma_start3A_342 = arith.constant 0 : i32
      %dma_start3A_343 = arith.constant 0 : i32
      %dma_start3A_344 = tpu.memref_slice %arg2[%dma_start3A_341, %add3A, %dma_start3A_342, %dma_start3A_343] : memref<25x32x8x128xi32, #tpu.memory_space<hbm>> -> memref<25x1x8x128xi32, #tpu.memory_space<hbm>>
      %dma_start3A_345 = tpu.memref_squeeze %dma_start3A_344 : memref<25x1x8x128xi32, #tpu.memory_space<hbm>> -> memref<25x8x128xi32, #tpu.memory_space<hbm>>
      %dma_start3A_346 = arith.constant 0 : i32
      %dma_start3A_347 = arith.constant 0 : i32
      %dma_start3A_348 = arith.constant 0 : i32
      %dma_start3A_349 = tpu.memref_slice %arg2[%dma_start3A_346, %add3A, %dma_start3A_347, %dma_start3A_348] : memref<25x32x8x128xi32, #tpu.memory_space<hbm>> -> memref<25x1x8x128xi32, #tpu.memory_space<hbm>>
      %dma_start3A_350 = tpu.memref_squeeze %dma_start3A_349 : memref<25x1x8x128xi32, #tpu.memory_space<hbm>> -> memref<25x8x128xi32, #tpu.memory_space<hbm>>
      tpu.enqueue_dma source(%dma_start3A_350 : memref<25x8x128xi32, #tpu.memory_space<hbm>>) target(%arg5 : memref<25x8x128xi32, #tpu.memory_space<vmem>>) target_semaphore(%run_scoped3A : memref<!tpu.dma_semaphore, #tpu.memory_space<semaphore_mem>>)
      %dma_wait3A_351 = arith.constant 0 : i32
      %dma_wait3A_352 = arith.constant 0 : i32
      %dma_wait3A_353 = arith.constant 0 : i32
      %dma_wait3A_354 = tpu.memref_slice %arg2[%dma_wait3A_351, %add3A, %dma_wait3A_352, %dma_wait3A_353] : memref<25x32x8x128xi32, #tpu.memory_space<hbm>> -> memref<25x1x8x128xi32, #tpu.memory_space<hbm>>
      %dma_wait3A_355 = tpu.memref_squeeze %dma_wait3A_354 : memref<25x1x8x128xi32, #tpu.memory_space<hbm>> -> memref<25x8x128xi32, #tpu.memory_space<hbm>>
      %dma_wait3A_356 = arith.constant 0 : i32
      %dma_wait3A_357 = arith.constant 0 : i32
      %dma_wait3A_358 = arith.constant 0 : i32
      %dma_wait3A_359 = tpu.memref_slice %arg2[%dma_wait3A_356, %add3A, %dma_wait3A_357, %dma_wait3A_358] : memref<25x32x8x128xi32, #tpu.memory_space<hbm>> -> memref<25x1x8x128xi32, #tpu.memory_space<hbm>>
      %dma_wait3A_360 = tpu.memref_squeeze %dma_wait3A_359 : memref<25x1x8x128xi32, #tpu.memory_space<hbm>> -> memref<25x8x128xi32, #tpu.memory_space<hbm>>
      tpu.wait_dma2 semaphore(%run_scoped3A : memref<!tpu.dma_semaphore, #tpu.memory_space<semaphore_mem>>) src(%dma_wait3A_360 : memref<25x8x128xi32, #tpu.memory_space<hbm>>) dst(%arg5 : memref<25x8x128xi32, #tpu.memory_space<vmem>>)
      tpu.yield
    }) : () -> ()
    %dma_start3A = arith.constant 0 : i32
    %dma_start3A_227 = arith.constant 0 : i32
    %dma_start3A_228 = arith.constant 0 : i32
    %dma_start3A_229 = arith.constant 0 : i32
    %dma_start3A_230 = arith.constant 0 : i32
    %dma_start3A_231 = tpu.memref_slice %arg6[%dma_start3A_228, %dma_start3A_229, %dma_start3A_230] : memref<2x128x64xf32, #tpu.memory_space<vmem>> -> memref<1x128x64xf32, #tpu.memory_space<vmem>>
    %dma_start3A_232 = tpu.memref_squeeze %dma_start3A_231 : memref<1x128x64xf32, #tpu.memory_space<vmem>> -> memref<128x64xf32, #tpu.memory_space<vmem>>
    %dma_start3A_233 = arith.constant 0 : i32
    %dma_start3A_234 = tpu.memref_slice %arg5[%dma_start3A, %dma_start3A_227, %dma_start3A_233] : memref<25x8x128xi32, #tpu.memory_space<vmem>> -> memref<1x1x128xi32, #tpu.memory_space<vmem>>
    %dma_start3A_235 = tpu.memref_squeeze %dma_start3A_234 : memref<1x1x128xi32, #tpu.memory_space<vmem>> -> memref<128xi32, #tpu.memory_space<vmem>>
    %dma_start3A_236 = arith.constant 0 : i32
    %dma_start3A_237 = arith.constant 0 : i32
    %dma_start3A_238 = tpu.memref_slice %arg3[%dma_start3A_236, %dma_start3A_237] : memref<1000000x64xf32, #tpu.memory_space<hbm>> -> memref<1000000x64xf32, #tpu.memory_space<hbm>>
    tpu.enqueue_indirect_dma source(%dma_start3A_238 : memref<1000000x64xf32, #tpu.memory_space<hbm>>) target(%dma_start3A_232 : memref<128x64xf32, #tpu.memory_space<vmem>>) offsets(%dma_start3A_235 : memref<128xi32, #tpu.memory_space<vmem>>) semaphore(%arg8 : memref<!tpu.dma_semaphore, #tpu.memory_space<semaphore_mem>>)
    %dma_start3A_239 = arith.constant 0 : i32
    %dma_start3A_240 = arith.constant 1 : i32
    %dma_start3A_241 = arith.constant 1 : i32
    %dma_start3A_242 = arith.constant 0 : i32
    %dma_start3A_243 = arith.constant 0 : i32
    %dma_start3A_244 = tpu.memref_slice %arg6[%dma_start3A_241, %dma_start3A_242, %dma_start3A_243] : memref<2x128x64xf32, #tpu.memory_space<vmem>> -> memref<1x128x64xf32, #tpu.memory_space<vmem>>
    %dma_start3A_245 = tpu.memref_squeeze %dma_start3A_244 : memref<1x128x64xf32, #tpu.memory_space<vmem>> -> memref<128x64xf32, #tpu.memory_space<vmem>>
    %dma_start3A_246 = arith.constant 0 : i32
    %dma_start3A_247 = tpu.memref_slice %arg5[%dma_start3A_239, %dma_start3A_240, %dma_start3A_246] : memref<25x8x128xi32, #tpu.memory_space<vmem>> -> memref<1x1x128xi32, #tpu.memory_space<vmem>>
    %dma_start3A_248 = tpu.memref_squeeze %dma_start3A_247 : memref<1x1x128xi32, #tpu.memory_space<vmem>> -> memref<128xi32, #tpu.memory_space<vmem>>
    %dma_start3A_249 = arith.constant 0 : i32
    %dma_start3A_250 = arith.constant 0 : i32
    %dma_start3A_251 = tpu.memref_slice %arg3[%dma_start3A_249, %dma_start3A_250] : memref<1000000x64xf32, #tpu.memory_space<hbm>> -> memref<1000000x64xf32, #tpu.memory_space<hbm>>
    tpu.enqueue_indirect_dma source(%dma_start3A_251 : memref<1000000x64xf32, #tpu.memory_space<hbm>>) target(%dma_start3A_245 : memref<128x64xf32, #tpu.memory_space<vmem>>) offsets(%dma_start3A_248 : memref<128xi32, #tpu.memory_space<vmem>>) semaphore(%arg9 : memref<!tpu.dma_semaphore, #tpu.memory_space<semaphore_mem>>)
    %scan3A = arith.constant 0 : i32
    %scan3A_252 = arith.constant 100 : i32
    %scan3A_253 = arith.addi %scan3A, %scan3A_252 : i32
    %scan3A_254 = arith.constant 1 : i32
    scf.for %scan3A_341 = %scan3A to %scan3A_253 step %scan3A_254  : i32 {
      %mul3A_342 = arith.constant 2 : i32
      %mul3A_343 = arith.muli %scan3A_341, %mul3A_342 : i32
      %add3A_344 = arith.constant 0 : i32
      %add3A_345 = arith.addi %add3A_344, %mul3A_343 : i32
      %add3A_346 = arith.constant 0 : i32
      %add3A_347 = arith.addi %add3A_345, %add3A_346 : i32
      %dma_wait3A_348 = arith.constant 0 : i32
      %dma_wait3A_349 = arith.constant 0 : i32
      %dma_wait3A_350 = arith.constant 0 : i32
      %dma_wait3A_351 = tpu.memref_slice %arg6[%dma_wait3A_348, %dma_wait3A_349, %dma_wait3A_350] : memref<2x128x64xf32, #tpu.memory_space<vmem>> -> memref<1x128x64xf32, #tpu.memory_space<vmem>>
      %dma_wait3A_352 = tpu.memref_squeeze %dma_wait3A_351 : memref<1x128x64xf32, #tpu.memory_space<vmem>> -> memref<128x64xf32, #tpu.memory_space<vmem>>
      %dma_wait3A_353 = arith.constant 0 : i32
      %dma_wait3A_354 = arith.constant 0 : i32
      %dma_wait3A_355 = tpu.memref_slice %arg3[%dma_wait3A_353, %dma_wait3A_354] : memref<1000000x64xf32, #tpu.memory_space<hbm>> -> memref<128x64xf32, #tpu.memory_space<hbm>>
      %dma_wait3A_356 = arith.constant 0 : i32
      %dma_wait3A_357 = arith.constant 0 : i32
      %dma_wait3A_358 = tpu.memref_slice %arg6[%dma_wait3A_348, %dma_wait3A_356, %dma_wait3A_357] : memref<2x128x64xf32, #tpu.memory_space<vmem>> -> memref<1x128x64xf32, #tpu.memory_space<vmem>>
      %dma_wait3A_359 = tpu.memref_squeeze %dma_wait3A_358 : memref<1x128x64xf32, #tpu.memory_space<vmem>> -> memref<128x64xf32, #tpu.memory_space<vmem>>
      %dma_wait3A_360 = arith.constant 0 : i32
      %dma_wait3A_361 = arith.constant 0 : i32
      %dma_wait3A_362 = tpu.memref_slice %arg3[%dma_wait3A_360, %dma_wait3A_361] : memref<1000000x64xf32, #tpu.memory_space<hbm>> -> memref<128x64xf32, #tpu.memory_space<hbm>>
      tpu.wait_dma2 semaphore(%arg8 : memref<!tpu.dma_semaphore, #tpu.memory_space<semaphore_mem>>) src(%dma_wait3A_362 : memref<128x64xf32, #tpu.memory_space<hbm>>) dst(%dma_wait3A_359 : memref<128x64xf32, #tpu.memory_space<vmem>>)
      %ge3A = arith.constant 2 : i32
      %ge3A_363 = arith.cmpi sge, %add3A_347, %ge3A : i32
      %convert_element_type3A = arith.extui %ge3A_363 : i1 to i32
      %cond3A = arith.constant 0 : i32
      %cond3A_364 = arith.cmpi ne, %convert_element_type3A, %cond3A : i32
      scf.if %cond3A_364 {
        %dma_wait3A_488 = arith.constant 0 : i32
        %dma_wait3A_489 = arith.constant 0 : i32
        %dma_wait3A_490 = arith.constant 0 : i32
        %dma_wait3A_491 = arith.constant 0 : i32
        %dma_wait3A_492 = arith.constant 0 : i32
        %dma_wait3A_493 = arith.constant 0 : i32
        %dma_wait3A_494 = tpu.memref_slice %arg7[%dma_wait3A_488, %dma_wait3A_491, %dma_wait3A_492, %dma_wait3A_493] : memref<2x8x8x129xf32, #tpu.memory_space<vmem>> -> memref<1x8x8x129xf32, #tpu.memory_space<vmem>>
        %dma_wait3A_495 = tpu.memref_squeeze %dma_wait3A_494 : memref<1x8x8x129xf32, #tpu.memory_space<vmem>> -> memref<8x8x129xf32, #tpu.memory_space<vmem>>
        %dma_wait3A_496 = arith.constant 0 : i32
        %dma_wait3A_497 = arith.constant 0 : i32
        %dma_wait3A_498 = arith.constant 0 : i32
        %dma_wait3A_499 = tpu.memref_slice %dma_wait3A_495[%dma_wait3A_496, %dma_wait3A_497, %dma_wait3A_498] : memref<8x8x129xf32, #tpu.memory_space<vmem>> -> memref<8x8x128xf32, #tpu.memory_space<vmem>>
        %dma_wait3A_500 = arith.constant 0 : i32
        %dma_wait3A_501 = arith.constant 0 : i32
        %dma_wait3A_502 = arith.constant 0 : i32
        %dma_wait3A_503 = arith.constant 0 : i32
        %dma_wait3A_504 = tpu.memref_slice %arg4[%dma_wait3A_489, %dma_wait3A_500, %dma_wait3A_501, %dma_wait3A_502, %dma_wait3A_503] : memref<200x8x32x8x128xf32, #tpu.memory_space<hbm>> -> memref<1x8x32x8x128xf32, #tpu.memory_space<hbm>>
        %dma_wait3A_505 = tpu.memref_squeeze %dma_wait3A_504 : memref<1x8x32x8x128xf32, #tpu.memory_space<hbm>> -> memref<8x32x8x128xf32, #tpu.memory_space<hbm>>
        %dma_wait3A_506 = arith.constant 0 : i32
        %dma_wait3A_507 = arith.constant 0 : i32
        %dma_wait3A_508 = arith.constant 0 : i32
        %dma_wait3A_509 = tpu.memref_slice %dma_wait3A_505[%dma_wait3A_506, %dma_wait3A_490, %dma_wait3A_507, %dma_wait3A_508] : memref<8x32x8x128xf32, #tpu.memory_space<hbm>> -> memref<8x1x8x128xf32, #tpu.memory_space<hbm>>
        %dma_wait3A_510 = tpu.memref_squeeze %dma_wait3A_509 : memref<8x1x8x128xf32, #tpu.memory_space<hbm>> -> memref<8x8x128xf32, #tpu.memory_space<hbm>>
        %dma_wait3A_511 = arith.constant 0 : i32
        %dma_wait3A_512 = arith.constant 0 : i32
        %dma_wait3A_513 = arith.constant 0 : i32
        %dma_wait3A_514 = arith.constant 0 : i32
        %dma_wait3A_515 = tpu.memref_slice %arg4[%dma_wait3A_489, %dma_wait3A_511, %dma_wait3A_512, %dma_wait3A_513, %dma_wait3A_514] : memref<200x8x32x8x128xf32, #tpu.memory_space<hbm>> -> memref<1x8x32x8x128xf32, #tpu.memory_space<hbm>>
        %dma_wait3A_516 = tpu.memref_squeeze %dma_wait3A_515 : memref<1x8x32x8x128xf32, #tpu.memory_space<hbm>> -> memref<8x32x8x128xf32, #tpu.memory_space<hbm>>
        %dma_wait3A_517 = arith.constant 0 : i32
        %dma_wait3A_518 = arith.constant 0 : i32
        %dma_wait3A_519 = arith.constant 0 : i32
        %dma_wait3A_520 = tpu.memref_slice %dma_wait3A_516[%dma_wait3A_517, %dma_wait3A_490, %dma_wait3A_518, %dma_wait3A_519] : memref<8x32x8x128xf32, #tpu.memory_space<hbm>> -> memref<8x1x8x128xf32, #tpu.memory_space<hbm>>
        %dma_wait3A_521 = tpu.memref_squeeze %dma_wait3A_520 : memref<8x1x8x128xf32, #tpu.memory_space<hbm>> -> memref<8x8x128xf32, #tpu.memory_space<hbm>>
        %dma_wait3A_522 = arith.constant 0 : i32
        %dma_wait3A_523 = arith.constant 0 : i32
        %dma_wait3A_524 = arith.constant 0 : i32
        %dma_wait3A_525 = tpu.memref_slice %arg7[%dma_wait3A_488, %dma_wait3A_522, %dma_wait3A_523, %dma_wait3A_524] : memref<2x8x8x129xf32, #tpu.memory_space<vmem>> -> memref<1x8x8x129xf32, #tpu.memory_space<vmem>>
        %dma_wait3A_526 = tpu.memref_squeeze %dma_wait3A_525 : memref<1x8x8x129xf32, #tpu.memory_space<vmem>> -> memref<8x8x129xf32, #tpu.memory_space<vmem>>
        %dma_wait3A_527 = arith.constant 0 : i32
        %dma_wait3A_528 = arith.constant 0 : i32
        %dma_wait3A_529 = arith.constant 0 : i32
        %dma_wait3A_530 = tpu.memref_slice %dma_wait3A_526[%dma_wait3A_527, %dma_wait3A_528, %dma_wait3A_529] : memref<8x8x129xf32, #tpu.memory_space<vmem>> -> memref<8x8x128xf32, #tpu.memory_space<vmem>>
        tpu.wait_dma2 semaphore(%arg10 : memref<!tpu.dma_semaphore, #tpu.memory_space<semaphore_mem>>) src(%dma_wait3A_530 : memref<8x8x128xf32, #tpu.memory_space<vmem>>) dst(%dma_wait3A_521 : memref<8x8x128xf32, #tpu.memory_space<hbm>>)
      } else {
      }
      %parallel_loop3A = arith.constant 0 : i32
      %parallel_loop3A_365 = arith.constant 128 : i32
      %parallel_loop3A_366 = arith.constant 1 : i32
      scf.for %parallel_loop3A_488 = %parallel_loop3A to %parallel_loop3A_365 step %parallel_loop3A_366  : i32 {
        %parallel_loop3A_489 = arith.constant 1 : i32
        %parallel_loop3A_490 = vector.broadcast %parallel_loop3A_489 : i32 to vector<16xi32>
        %parallel_loop3A_491 = vector.broadcast %parallel_loop3A_488 : i32 to vector<16xi32>
        %parallel_loop3A_492 = arith.muli %parallel_loop3A_490, %parallel_loop3A_491 : vector<16xi32>
        %parallel_loop3A_493 = arith.constant 0 : i32
        %parallel_loop3A_494 = arith.index_cast %parallel_loop3A_493 : i32 to index
        %parallel_loop3A_495 = arith.index_cast %parallel_loop3A_488 : i32 to index
        %parallel_loop3A_496 = arith.constant 0 : index
        %parallel_loop3A_497 = tpu.vector_load %arg6[%parallel_loop3A_494, %parallel_loop3A_495, %parallel_loop3A_496] {strides = array<i32>} : memref<2x128x64xf32, #tpu.memory_space<vmem>>, vector<16xf32>,
        %parallel_loop3A_498 = arith.constant 0 : i32
        %parallel_loop3A_499 = arith.constant 0 : i32
        %parallel_loop3A_500 = arith.constant 0 : i32
        %parallel_loop3A_501 = arith.constant 0 : i32
        %parallel_loop3A_502 = tpu.memref_slice %arg7[%parallel_loop3A_498, %parallel_loop3A_499, %parallel_loop3A_500, %parallel_loop3A_501] : memref<2x8x8x129xf32, #tpu.memory_space<vmem>> -> memref<1x8x8x129xf32, #tpu.memory_space<vmem>>
        %parallel_loop3A_503 = tpu.memref_squeeze %parallel_loop3A_502 : memref<1x8x8x129xf32, #tpu.memory_space<vmem>> -> memref<8x8x129xf32, #tpu.memory_space<vmem>>
        tpu.vector_store_idx %parallel_loop3A_503[%select_n3A, %select_n3A_151, %parallel_loop3A_492], %parallel_loop3A_497 : memref<8x8x129xf32, #tpu.memory_space<vmem>>[vector<16xi32>, vector<16xi32>, vector<16xi32>], vector<16xf32>,
        %parallel_loop3A_504 = arith.constant 0 : i32
        %parallel_loop3A_505 = arith.index_cast %parallel_loop3A_504 : i32 to index
        %parallel_loop3A_506 = arith.index_cast %parallel_loop3A_488 : i32 to index
        %parallel_loop3A_507 = arith.constant 16 : index
        %parallel_loop3A_508 = tpu.vector_load %arg6[%parallel_loop3A_505, %parallel_loop3A_506, %parallel_loop3A_507] {strides = array<i32>} : memref<2x128x64xf32, #tpu.memory_space<vmem>>, vector<16xf32>,
        %parallel_loop3A_509 = arith.constant 0 : i32
        %parallel_loop3A_510 = arith.constant 0 : i32
        %parallel_loop3A_511 = arith.constant 0 : i32
        %parallel_loop3A_512 = arith.constant 0 : i32
        %parallel_loop3A_513 = tpu.memref_slice %arg7[%parallel_loop3A_509, %parallel_loop3A_510, %parallel_loop3A_511, %parallel_loop3A_512] : memref<2x8x8x129xf32, #tpu.memory_space<vmem>> -> memref<1x8x8x129xf32, #tpu.memory_space<vmem>>
        %parallel_loop3A_514 = tpu.memref_squeeze %parallel_loop3A_513 : memref<1x8x8x129xf32, #tpu.memory_space<vmem>> -> memref<8x8x129xf32, #tpu.memory_space<vmem>>
        tpu.vector_store_idx %parallel_loop3A_514[%select_n3A_60, %select_n3A_176, %parallel_loop3A_492], %parallel_loop3A_508 : memref<8x8x129xf32, #tpu.memory_space<vmem>>[vector<16xi32>, vector<16xi32>, vector<16xi32>], vector<16xf32>,
        %parallel_loop3A_515 = arith.constant 0 : i32
        %parallel_loop3A_516 = arith.index_cast %parallel_loop3A_515 : i32 to index
        %parallel_loop3A_517 = arith.index_cast %parallel_loop3A_488 : i32 to index
        %parallel_loop3A_518 = arith.constant 32 : index
        %parallel_loop3A_519 = tpu.vector_load %arg6[%parallel_loop3A_516, %parallel_loop3A_517, %parallel_loop3A_518] {strides = array<i32>} : memref<2x128x64xf32, #tpu.memory_space<vmem>>, vector<16xf32>,
        %parallel_loop3A_520 = arith.constant 0 : i32
        %parallel_loop3A_521 = arith.constant 0 : i32
        %parallel_loop3A_522 = arith.constant 0 : i32
        %parallel_loop3A_523 = arith.constant 0 : i32
        %parallel_loop3A_524 = tpu.memref_slice %arg7[%parallel_loop3A_520, %parallel_loop3A_521, %parallel_loop3A_522, %parallel_loop3A_523] : memref<2x8x8x129xf32, #tpu.memory_space<vmem>> -> memref<1x8x8x129xf32, #tpu.memory_space<vmem>>
        %parallel_loop3A_525 = tpu.memref_squeeze %parallel_loop3A_524 : memref<1x8x8x129xf32, #tpu.memory_space<vmem>> -> memref<8x8x129xf32, #tpu.memory_space<vmem>>
        tpu.vector_store_idx %parallel_loop3A_525[%select_n3A_94, %select_n3A_201, %parallel_loop3A_492], %parallel_loop3A_519 : memref<8x8x129xf32, #tpu.memory_space<vmem>>[vector<16xi32>, vector<16xi32>, vector<16xi32>], vector<16xf32>,
        %parallel_loop3A_526 = arith.constant 0 : i32
        %parallel_loop3A_527 = arith.index_cast %parallel_loop3A_526 : i32 to index
        %parallel_loop3A_528 = arith.index_cast %parallel_loop3A_488 : i32 to index
        %parallel_loop3A_529 = arith.constant 48 : index
        %parallel_loop3A_530 = tpu.vector_load %arg6[%parallel_loop3A_527, %parallel_loop3A_528, %parallel_loop3A_529] {strides = array<i32>} : memref<2x128x64xf32, #tpu.memory_space<vmem>>, vector<16xf32>,
        %parallel_loop3A_531 = arith.constant 0 : i32
        %parallel_loop3A_532 = arith.constant 0 : i32
        %parallel_loop3A_533 = arith.constant 0 : i32
        %parallel_loop3A_534 = arith.constant 0 : i32
        %parallel_loop3A_535 = tpu.memref_slice %arg7[%parallel_loop3A_531, %parallel_loop3A_532, %parallel_loop3A_533, %parallel_loop3A_534] : memref<2x8x8x129xf32, #tpu.memory_space<vmem>> -> memref<1x8x8x129xf32, #tpu.memory_space<vmem>>
        %parallel_loop3A_536 = tpu.memref_squeeze %parallel_loop3A_535 : memref<1x8x8x129xf32, #tpu.memory_space<vmem>> -> memref<8x8x129xf32, #tpu.memory_space<vmem>>
        tpu.vector_store_idx %parallel_loop3A_536[%select_n3A_128, %select_n3A_226, %parallel_loop3A_492], %parallel_loop3A_530 : memref<8x8x129xf32, #tpu.memory_space<vmem>>[vector<16xi32>, vector<16xi32>, vector<16xi32>], vector<16xf32>,
      } {sc.loop_unroll_factor = 4 : i64, sc.parallel_access}
      %dma_start3A_367 = arith.constant 0 : i32
      %dma_start3A_368 = arith.constant 0 : i32
      %dma_start3A_369 = arith.constant 0 : i32
      %dma_start3A_370 = arith.constant 0 : i32
      %dma_start3A_371 = tpu.memref_slice %arg7[%dma_start3A_367, %dma_start3A_368, %dma_start3A_369, %dma_start3A_370] : memref<2x8x8x129xf32, #tpu.memory_space<vmem>> -> memref<1x8x8x129xf32, #tpu.memory_space<vmem>>
      %dma_start3A_372 = tpu.memref_squeeze %dma_start3A_371 : memref<1x8x8x129xf32, #tpu.memory_space<vmem>> -> memref<8x8x129xf32, #tpu.memory_space<vmem>>
      %dma_start3A_373 = arith.constant 0 : i32
      %dma_start3A_374 = arith.constant 0 : i32
      %dma_start3A_375 = arith.constant 0 : i32
      %dma_start3A_376 = tpu.memref_slice %dma_start3A_372[%dma_start3A_373, %dma_start3A_374, %dma_start3A_375] : memref<8x8x129xf32, #tpu.memory_space<vmem>> -> memref<8x8x128xf32, #tpu.memory_space<vmem>>
      %dma_start3A_377 = arith.constant 0 : i32
      %dma_start3A_378 = arith.constant 0 : i32
      %dma_start3A_379 = arith.constant 0 : i32
      %dma_start3A_380 = arith.constant 0 : i32
      %dma_start3A_381 = tpu.memref_slice %arg4[%add3A_347, %dma_start3A_377, %dma_start3A_378, %dma_start3A_379, %dma_start3A_380] : memref<200x8x32x8x128xf32, #tpu.memory_space<hbm>> -> memref<1x8x32x8x128xf32, #tpu.memory_space<hbm>>
      %dma_start3A_382 = tpu.memref_squeeze %dma_start3A_381 : memref<1x8x32x8x128xf32, #tpu.memory_space<hbm>> -> memref<8x32x8x128xf32, #tpu.memory_space<hbm>>
      %dma_start3A_383 = arith.constant 0 : i32
      %dma_start3A_384 = arith.constant 0 : i32
      %dma_start3A_385 = arith.constant 0 : i32
      %dma_start3A_386 = tpu.memref_slice %dma_start3A_382[%dma_start3A_383, %add3A, %dma_start3A_384, %dma_start3A_385] : memref<8x32x8x128xf32, #tpu.memory_space<hbm>> -> memref<8x1x8x128xf32, #tpu.memory_space<hbm>>
      %dma_start3A_387 = tpu.memref_squeeze %dma_start3A_386 : memref<8x1x8x128xf32, #tpu.memory_space<hbm>> -> memref<8x8x128xf32, #tpu.memory_space<hbm>>
      %dma_start3A_388 = arith.constant 0 : i32
      %dma_start3A_389 = arith.constant 0 : i32
      %dma_start3A_390 = arith.constant 0 : i32
      %dma_start3A_391 = arith.constant 0 : i32
      %dma_start3A_392 = tpu.memref_slice %arg4[%add3A_347, %dma_start3A_388, %dma_start3A_389, %dma_start3A_390, %dma_start3A_391] : memref<200x8x32x8x128xf32, #tpu.memory_space<hbm>> -> memref<1x8x32x8x128xf32, #tpu.memory_space<hbm>>
      %dma_start3A_393 = tpu.memref_squeeze %dma_start3A_392 : memref<1x8x32x8x128xf32, #tpu.memory_space<hbm>> -> memref<8x32x8x128xf32, #tpu.memory_space<hbm>>
      %dma_start3A_394 = arith.constant 0 : i32
      %dma_start3A_395 = arith.constant 0 : i32
      %dma_start3A_396 = arith.constant 0 : i32
      %dma_start3A_397 = tpu.memref_slice %dma_start3A_393[%dma_start3A_394, %add3A, %dma_start3A_395, %dma_start3A_396] : memref<8x32x8x128xf32, #tpu.memory_space<hbm>> -> memref<8x1x8x128xf32, #tpu.memory_space<hbm>>
      %dma_start3A_398 = tpu.memref_squeeze %dma_start3A_397 : memref<8x1x8x128xf32, #tpu.memory_space<hbm>> -> memref<8x8x128xf32, #tpu.memory_space<hbm>>
      %dma_start3A_399 = arith.constant 0 : i32
      %dma_start3A_400 = arith.constant 0 : i32
      %dma_start3A_401 = arith.constant 0 : i32
      %dma_start3A_402 = tpu.memref_slice %arg7[%dma_start3A_367, %dma_start3A_399, %dma_start3A_400, %dma_start3A_401] : memref<2x8x8x129xf32, #tpu.memory_space<vmem>> -> memref<1x8x8x129xf32, #tpu.memory_space<vmem>>
      %dma_start3A_403 = tpu.memref_squeeze %dma_start3A_402 : memref<1x8x8x129xf32, #tpu.memory_space<vmem>> -> memref<8x8x129xf32, #tpu.memory_space<vmem>>
      %dma_start3A_404 = arith.constant 0 : i32
      %dma_start3A_405 = arith.constant 0 : i32
      %dma_start3A_406 = arith.constant 0 : i32
      %dma_start3A_407 = tpu.memref_slice %dma_start3A_403[%dma_start3A_404, %dma_start3A_405, %dma_start3A_406] : memref<8x8x129xf32, #tpu.memory_space<vmem>> -> memref<8x8x128xf32, #tpu.memory_space<vmem>>
      tpu.enqueue_dma source(%dma_start3A_407 : memref<8x8x128xf32, #tpu.memory_space<vmem>>) target(%dma_start3A_398 : memref<8x8x128xf32, #tpu.memory_space<hbm>>) target_semaphore(%arg10 : memref<!tpu.dma_semaphore, #tpu.memory_space<semaphore_mem>>)
      %add3A_408 = arith.constant 2 : i32
      %add3A_409 = arith.addi %add3A_347, %add3A_408 : i32
      %lt3A_410 = arith.constant 200 : i32
      %lt3A_411 = arith.cmpi slt, %add3A_409, %lt3A_410 : i32
      %convert_element_type3A_412 = arith.extui %lt3A_411 : i1 to i32
      %cond3A_413 = arith.constant 0 : i32
      %cond3A_414 = arith.cmpi ne, %convert_element_type3A_412, %cond3A_413 : i32
      scf.if %cond3A_414 {
        %add3A_488 = arith.constant 2 : i32
        %add3A_489 = arith.addi %add3A_347, %add3A_488 : i32
        %jit3A_490 = arith.constant 8 : i32
        %div3A_491 = arith.divsi %add3A_489, %jit3A_490 : i32
        %sign3A_492 = arith.constant 0 : i32
        %sign3A_493 = arith.cmpi sgt, %add3A_489, %sign3A_492 : i32
        %sign3A_494 = arith.extui %sign3A_493 : i1 to i32
        %sign3A_495 = arith.constant 0 : i32
        %sign3A_496 = arith.cmpi slt, %add3A_489, %sign3A_495 : i32
        %sign3A_497 = arith.extui %sign3A_496 : i1 to i32
        %sign3A_498 = arith.subi %sign3A_494, %sign3A_497 : i32
        %sign3A_499 = arith.constant 0 : i32
        %sign3A_500 = arith.cmpi sgt, %jit3A_490, %sign3A_499 : i32
        %sign3A_501 = arith.extui %sign3A_500 : i1 to i32
        %sign3A_502 = arith.constant 0 : i32
        %sign3A_503 = arith.cmpi slt, %jit3A_490, %sign3A_502 : i32
        %sign3A_504 = arith.extui %sign3A_503 : i1 to i32
        %sign3A_505 = arith.subi %sign3A_501, %sign3A_504 : i32
        %ne3A_506 = arith.cmpi ne, %sign3A_498, %sign3A_505 : i32
        %rem3A_507 = arith.remsi %add3A_489, %jit3A_490 : i32
        %ne3A_508 = arith.constant 0 : i32
        %ne3A_509 = arith.cmpi ne, %rem3A_507, %ne3A_508 : i32
        %and3A_510 = arith.andi %ne3A_506, %ne3A_509 : i1
        %sub3A_511 = arith.constant 1 : i32
        %sub3A_512 = arith.subi %div3A_491, %sub3A_511 : i32
        %select_n3A_513 = arith.select %and3A_510, %sub3A_512, %div3A_491 : i32
        %jit3A_514 = arith.constant 8 : i32
        %eq3A_515 = arith.constant 0 : i32
        %eq3A_516 = arith.cmpi eq, %jit3A_514, %eq3A_515 : i32
        %jit3A_517 = arith.constant 1 : i32
        %select_n3A_518 = arith.select %eq3A_516, %jit3A_517, %jit3A_514 : i32
        %rem3A_519 = arith.remsi %add3A_489, %select_n3A_518 : i32
        %ne3A_520 = arith.constant 0 : i32
        %ne3A_521 = arith.cmpi ne, %rem3A_519, %ne3A_520 : i32
        %lt3A_522 = arith.constant 0 : i32
        %lt3A_523 = arith.cmpi slt, %rem3A_519, %lt3A_522 : i32
        %lt3A_524 = arith.constant 0 : i32
        %lt3A_525 = arith.cmpi slt, %select_n3A_518, %lt3A_524 : i32
        %ne3A_526 = arith.xori %lt3A_523, %lt3A_525 : i1
        %and3A_527 = arith.andi %ne3A_526, %ne3A_521 : i1
        %add3A_528 = arith.addi %rem3A_519, %select_n3A_518 : i32
        %select_n3A_529 = arith.select %and3A_527, %add3A_528, %rem3A_519 : i32
        %dma_start3A_530 = arith.constant 0 : i32
        %dma_start3A_531 = arith.constant 0 : i32
        %dma_start3A_532 = arith.constant 0 : i32
        %dma_start3A_533 = tpu.memref_slice %arg6[%dma_start3A_530, %dma_start3A_531, %dma_start3A_532] : memref<2x128x64xf32, #tpu.memory_space<vmem>> -> memref<1x128x64xf32, #tpu.memory_space<vmem>>
        %dma_start3A_534 = tpu.memref_squeeze %dma_start3A_533 : memref<1x128x64xf32, #tpu.memory_space<vmem>> -> memref<128x64xf32, #tpu.memory_space<vmem>>
        %dma_start3A_535 = arith.constant 0 : i32
        %dma_start3A_536 = tpu.memref_slice %arg5[%select_n3A_513, %select_n3A_529, %dma_start3A_535] : memref<25x8x128xi32, #tpu.memory_space<vmem>> -> memref<1x1x128xi32, #tpu.memory_space<vmem>>
        %dma_start3A_537 = tpu.memref_squeeze %dma_start3A_536 : memref<1x1x128xi32, #tpu.memory_space<vmem>> -> memref<128xi32, #tpu.memory_space<vmem>>
        %dma_start3A_538 = arith.constant 0 : i32
        %dma_start3A_539 = arith.constant 0 : i32
        %dma_start3A_540 = tpu.memref_slice %arg3[%dma_start3A_538, %dma_start3A_539] : memref<1000000x64xf32, #tpu.memory_space<hbm>> -> memref<1000000x64xf32, #tpu.memory_space<hbm>>
        tpu.enqueue_indirect_dma source(%dma_start3A_540 : memref<1000000x64xf32, #tpu.memory_space<hbm>>) target(%dma_start3A_534 : memref<128x64xf32, #tpu.memory_space<vmem>>) offsets(%dma_start3A_537 : memref<128xi32, #tpu.memory_space<vmem>>) semaphore(%arg8 : memref<!tpu.dma_semaphore, #tpu.memory_space<semaphore_mem>>)
      } else {
      }
      %add3A_415 = arith.constant 1 : i32
      %add3A_416 = arith.addi %add3A_345, %add3A_415 : i32
      %dma_wait3A_417 = arith.constant 1 : i32
      %dma_wait3A_418 = arith.constant 0 : i32
      %dma_wait3A_419 = arith.constant 0 : i32
      %dma_wait3A_420 = tpu.memref_slice %arg6[%dma_wait3A_417, %dma_wait3A_418, %dma_wait3A_419] : memref<2x128x64xf32, #tpu.memory_space<vmem>> -> memref<1x128x64xf32, #tpu.memory_space<vmem>>
      %dma_wait3A_421 = tpu.memref_squeeze %dma_wait3A_420 : memref<1x128x64xf32, #tpu.memory_space<vmem>> -> memref<128x64xf32, #tpu.memory_space<vmem>>
      %dma_wait3A_422 = arith.constant 0 : i32
      %dma_wait3A_423 = arith.constant 0 : i32
      %dma_wait3A_424 = tpu.memref_slice %arg3[%dma_wait3A_422, %dma_wait3A_423] : memref<1000000x64xf32, #tpu.memory_space<hbm>> -> memref<128x64xf32, #tpu.memory_space<hbm>>
      %dma_wait3A_425 = arith.constant 0 : i32
      %dma_wait3A_426 = arith.constant 0 : i32
      %dma_wait3A_427 = tpu.memref_slice %arg6[%dma_wait3A_417, %dma_wait3A_425, %dma_wait3A_426] : memref<2x128x64xf32, #tpu.memory_space<vmem>> -> memref<1x128x64xf32, #tpu.memory_space<vmem>>
      %dma_wait3A_428 = tpu.memref_squeeze %dma_wait3A_427 : memref<1x128x64xf32, #tpu.memory_space<vmem>> -> memref<128x64xf32, #tpu.memory_space<vmem>>
      %dma_wait3A_429 = arith.constant 0 : i32
      %dma_wait3A_430 = arith.constant 0 : i32
      %dma_wait3A_431 = tpu.memref_slice %arg3[%dma_wait3A_429, %dma_wait3A_430] : memref<1000000x64xf32, #tpu.memory_space<hbm>> -> memref<128x64xf32, #tpu.memory_space<hbm>>
      tpu.wait_dma2 semaphore(%arg9 : memref<!tpu.dma_semaphore, #tpu.memory_space<semaphore_mem>>) src(%dma_wait3A_431 : memref<128x64xf32, #tpu.memory_space<hbm>>) dst(%dma_wait3A_428 : memref<128x64xf32, #tpu.memory_space<vmem>>)
      %ge3A_432 = arith.constant 2 : i32
      %ge3A_433 = arith.cmpi sge, %add3A_416, %ge3A_432 : i32
      %convert_element_type3A_434 = arith.extui %ge3A_433 : i1 to i32
      %cond3A_435 = arith.constant 0 : i32
      %cond3A_436 = arith.cmpi ne, %convert_element_type3A_434, %cond3A_435 : i32
      scf.if %cond3A_436 {
        %dma_wait3A_488 = arith.constant 1 : i32
        %dma_wait3A_489 = arith.constant 0 : i32
        %dma_wait3A_490 = arith.constant 0 : i32
        %dma_wait3A_491 = arith.constant 0 : i32
        %dma_wait3A_492 = arith.constant 0 : i32
        %dma_wait3A_493 = arith.constant 0 : i32
        %dma_wait3A_494 = tpu.memref_slice %arg7[%dma_wait3A_488, %dma_wait3A_491, %dma_wait3A_492, %dma_wait3A_493] : memref<2x8x8x129xf32, #tpu.memory_space<vmem>> -> memref<1x8x8x129xf32, #tpu.memory_space<vmem>>
        %dma_wait3A_495 = tpu.memref_squeeze %dma_wait3A_494 : memref<1x8x8x129xf32, #tpu.memory_space<vmem>> -> memref<8x8x129xf32, #tpu.memory_space<vmem>>
        %dma_wait3A_496 = arith.constant 0 : i32
        %dma_wait3A_497 = arith.constant 0 : i32
        %dma_wait3A_498 = arith.constant 0 : i32
        %dma_wait3A_499 = tpu.memref_slice %dma_wait3A_495[%dma_wait3A_496, %dma_wait3A_497, %dma_wait3A_498] : memref<8x8x129xf32, #tpu.memory_space<vmem>> -> memref<8x8x128xf32, #tpu.memory_space<vmem>>
        %dma_wait3A_500 = arith.constant 0 : i32
        %dma_wait3A_501 = arith.constant 0 : i32
        %dma_wait3A_502 = arith.constant 0 : i32
        %dma_wait3A_503 = arith.constant 0 : i32
        %dma_wait3A_504 = tpu.memref_slice %arg4[%dma_wait3A_489, %dma_wait3A_500, %dma_wait3A_501, %dma_wait3A_502, %dma_wait3A_503] : memref<200x8x32x8x128xf32, #tpu.memory_space<hbm>> -> memref<1x8x32x8x128xf32, #tpu.memory_space<hbm>>
        %dma_wait3A_505 = tpu.memref_squeeze %dma_wait3A_504 : memref<1x8x32x8x128xf32, #tpu.memory_space<hbm>> -> memref<8x32x8x128xf32, #tpu.memory_space<hbm>>
        %dma_wait3A_506 = arith.constant 0 : i32
        %dma_wait3A_507 = arith.constant 0 : i32
        %dma_wait3A_508 = arith.constant 0 : i32
        %dma_wait3A_509 = tpu.memref_slice %dma_wait3A_505[%dma_wait3A_506, %dma_wait3A_490, %dma_wait3A_507, %dma_wait3A_508] : memref<8x32x8x128xf32, #tpu.memory_space<hbm>> -> memref<8x1x8x128xf32, #tpu.memory_space<hbm>>
        %dma_wait3A_510 = tpu.memref_squeeze %dma_wait3A_509 : memref<8x1x8x128xf32, #tpu.memory_space<hbm>> -> memref<8x8x128xf32, #tpu.memory_space<hbm>>
        %dma_wait3A_511 = arith.constant 0 : i32
        %dma_wait3A_512 = arith.constant 0 : i32
        %dma_wait3A_513 = arith.constant 0 : i32
        %dma_wait3A_514 = arith.constant 0 : i32
        %dma_wait3A_515 = tpu.memref_slice %arg4[%dma_wait3A_489, %dma_wait3A_511, %dma_wait3A_512, %dma_wait3A_513, %dma_wait3A_514] : memref<200x8x32x8x128xf32, #tpu.memory_space<hbm>> -> memref<1x8x32x8x128xf32, #tpu.memory_space<hbm>>
        %dma_wait3A_516 = tpu.memref_squeeze %dma_wait3A_515 : memref<1x8x32x8x128xf32, #tpu.memory_space<hbm>> -> memref<8x32x8x128xf32, #tpu.memory_space<hbm>>
        %dma_wait3A_517 = arith.constant 0 : i32
        %dma_wait3A_518 = arith.constant 0 : i32
        %dma_wait3A_519 = arith.constant 0 : i32
        %dma_wait3A_520 = tpu.memref_slice %dma_wait3A_516[%dma_wait3A_517, %dma_wait3A_490, %dma_wait3A_518, %dma_wait3A_519] : memref<8x32x8x128xf32, #tpu.memory_space<hbm>> -> memref<8x1x8x128xf32, #tpu.memory_space<hbm>>
        %dma_wait3A_521 = tpu.memref_squeeze %dma_wait3A_520 : memref<8x1x8x128xf32, #tpu.memory_space<hbm>> -> memref<8x8x128xf32, #tpu.memory_space<hbm>>
        %dma_wait3A_522 = arith.constant 0 : i32
        %dma_wait3A_523 = arith.constant 0 : i32
        %dma_wait3A_524 = arith.constant 0 : i32
        %dma_wait3A_525 = tpu.memref_slice %arg7[%dma_wait3A_488, %dma_wait3A_522, %dma_wait3A_523, %dma_wait3A_524] : memref<2x8x8x129xf32, #tpu.memory_space<vmem>> -> memref<1x8x8x129xf32, #tpu.memory_space<vmem>>
        %dma_wait3A_526 = tpu.memref_squeeze %dma_wait3A_525 : memref<1x8x8x129xf32, #tpu.memory_space<vmem>> -> memref<8x8x129xf32, #tpu.memory_space<vmem>>
        %dma_wait3A_527 = arith.constant 0 : i32
        %dma_wait3A_528 = arith.constant 0 : i32
        %dma_wait3A_529 = arith.constant 0 : i32
        %dma_wait3A_530 = tpu.memref_slice %dma_wait3A_526[%dma_wait3A_527, %dma_wait3A_528, %dma_wait3A_529] : memref<8x8x129xf32, #tpu.memory_space<vmem>> -> memref<8x8x128xf32, #tpu.memory_space<vmem>>
        tpu.wait_dma2 semaphore(%arg11 : memref<!tpu.dma_semaphore, #tpu.memory_space<semaphore_mem>>) src(%dma_wait3A_530 : memref<8x8x128xf32, #tpu.memory_space<vmem>>) dst(%dma_wait3A_521 : memref<8x8x128xf32, #tpu.memory_space<hbm>>)
      } else {
      }
      %parallel_loop3A_437 = arith.constant 0 : i32
      %parallel_loop3A_438 = arith.constant 128 : i32
      %parallel_loop3A_439 = arith.constant 1 : i32
      scf.for %parallel_loop3A_488 = %parallel_loop3A_437 to %parallel_loop3A_438 step %parallel_loop3A_439  : i32 {
        %parallel_loop3A_489 = arith.constant 1 : i32
        %parallel_loop3A_490 = vector.broadcast %parallel_loop3A_489 : i32 to vector<16xi32>
        %parallel_loop3A_491 = vector.broadcast %parallel_loop3A_488 : i32 to vector<16xi32>
        %parallel_loop3A_492 = arith.muli %parallel_loop3A_490, %parallel_loop3A_491 : vector<16xi32>
        %parallel_loop3A_493 = arith.constant 1 : i32
        %parallel_loop3A_494 = arith.index_cast %parallel_loop3A_493 : i32 to index
        %parallel_loop3A_495 = arith.index_cast %parallel_loop3A_488 : i32 to index
        %parallel_loop3A_496 = arith.constant 0 : index
        %parallel_loop3A_497 = tpu.vector_load %arg6[%parallel_loop3A_494, %parallel_loop3A_495, %parallel_loop3A_496] {strides = array<i32>} : memref<2x128x64xf32, #tpu.memory_space<vmem>>, vector<16xf32>,
        %parallel_loop3A_498 = arith.constant 1 : i32
        %parallel_loop3A_499 = arith.constant 0 : i32
        %parallel_loop3A_500 = arith.constant 0 : i32
        %parallel_loop3A_501 = arith.constant 0 : i32
        %parallel_loop3A_502 = tpu.memref_slice %arg7[%parallel_loop3A_498, %parallel_loop3A_499, %parallel_loop3A_500, %parallel_loop3A_501] : memref<2x8x8x129xf32, #tpu.memory_space<vmem>> -> memref<1x8x8x129xf32, #tpu.memory_space<vmem>>
        %parallel_loop3A_503 = tpu.memref_squeeze %parallel_loop3A_502 : memref<1x8x8x129xf32, #tpu.memory_space<vmem>> -> memref<8x8x129xf32, #tpu.memory_space<vmem>>
        tpu.vector_store_idx %parallel_loop3A_503[%select_n3A, %select_n3A_151, %parallel_loop3A_492], %parallel_loop3A_497 : memref<8x8x129xf32, #tpu.memory_space<vmem>>[vector<16xi32>, vector<16xi32>, vector<16xi32>], vector<16xf32>,
        %parallel_loop3A_504 = arith.constant 1 : i32
        %parallel_loop3A_505 = arith.index_cast %parallel_loop3A_504 : i32 to index
        %parallel_loop3A_506 = arith.index_cast %parallel_loop3A_488 : i32 to index
        %parallel_loop3A_507 = arith.constant 16 : index
        %parallel_loop3A_508 = tpu.vector_load %arg6[%parallel_loop3A_505, %parallel_loop3A_506, %parallel_loop3A_507] {strides = array<i32>} : memref<2x128x64xf32, #tpu.memory_space<vmem>>, vector<16xf32>,
        %parallel_loop3A_509 = arith.constant 1 : i32
        %parallel_loop3A_510 = arith.constant 0 : i32
        %parallel_loop3A_511 = arith.constant 0 : i32
        %parallel_loop3A_512 = arith.constant 0 : i32
        %parallel_loop3A_513 = tpu.memref_slice %arg7[%parallel_loop3A_509, %parallel_loop3A_510, %parallel_loop3A_511, %parallel_loop3A_512] : memref<2x8x8x129xf32, #tpu.memory_space<vmem>> -> memref<1x8x8x129xf32, #tpu.memory_space<vmem>>
        %parallel_loop3A_514 = tpu.memref_squeeze %parallel_loop3A_513 : memref<1x8x8x129xf32, #tpu.memory_space<vmem>> -> memref<8x8x129xf32, #tpu.memory_space<vmem>>
        tpu.vector_store_idx %parallel_loop3A_514[%select_n3A_60, %select_n3A_176, %parallel_loop3A_492], %parallel_loop3A_508 : memref<8x8x129xf32, #tpu.memory_space<vmem>>[vector<16xi32>, vector<16xi32>, vector<16xi32>], vector<16xf32>,
        %parallel_loop3A_515 = arith.constant 1 : i32
        %parallel_loop3A_516 = arith.index_cast %parallel_loop3A_515 : i32 to index
        %parallel_loop3A_517 = arith.index_cast %parallel_loop3A_488 : i32 to index
        %parallel_loop3A_518 = arith.constant 32 : index
        %parallel_loop3A_519 = tpu.vector_load %arg6[%parallel_loop3A_516, %parallel_loop3A_517, %parallel_loop3A_518] {strides = array<i32>} : memref<2x128x64xf32, #tpu.memory_space<vmem>>, vector<16xf32>,
        %parallel_loop3A_520 = arith.constant 1 : i32
        %parallel_loop3A_521 = arith.constant 0 : i32
        %parallel_loop3A_522 = arith.constant 0 : i32
        %parallel_loop3A_523 = arith.constant 0 : i32
        %parallel_loop3A_524 = tpu.memref_slice %arg7[%parallel_loop3A_520, %parallel_loop3A_521, %parallel_loop3A_522, %parallel_loop3A_523] : memref<2x8x8x129xf32, #tpu.memory_space<vmem>> -> memref<1x8x8x129xf32, #tpu.memory_space<vmem>>
        %parallel_loop3A_525 = tpu.memref_squeeze %parallel_loop3A_524 : memref<1x8x8x129xf32, #tpu.memory_space<vmem>> -> memref<8x8x129xf32, #tpu.memory_space<vmem>>
        tpu.vector_store_idx %parallel_loop3A_525[%select_n3A_94, %select_n3A_201, %parallel_loop3A_492], %parallel_loop3A_519 : memref<8x8x129xf32, #tpu.memory_space<vmem>>[vector<16xi32>, vector<16xi32>, vector<16xi32>], vector<16xf32>,
        %parallel_loop3A_526 = arith.constant 1 : i32
        %parallel_loop3A_527 = arith.index_cast %parallel_loop3A_526 : i32 to index
        %parallel_loop3A_528 = arith.index_cast %parallel_loop3A_488 : i32 to index
        %parallel_loop3A_529 = arith.constant 48 : index
        %parallel_loop3A_530 = tpu.vector_load %arg6[%parallel_loop3A_527, %parallel_loop3A_528, %parallel_loop3A_529] {strides = array<i32>} : memref<2x128x64xf32, #tpu.memory_space<vmem>>, vector<16xf32>,
        %parallel_loop3A_531 = arith.constant 1 : i32
        %parallel_loop3A_532 = arith.constant 0 : i32
        %parallel_loop3A_533 = arith.constant 0 : i32
        %parallel_loop3A_534 = arith.constant 0 : i32
        %parallel_loop3A_535 = tpu.memref_slice %arg7[%parallel_loop3A_531, %parallel_loop3A_532, %parallel_loop3A_533, %parallel_loop3A_534] : memref<2x8x8x129xf32, #tpu.memory_space<vmem>> -> memref<1x8x8x129xf32, #tpu.memory_space<vmem>>
        %parallel_loop3A_536 = tpu.memref_squeeze %parallel_loop3A_535 : memref<1x8x8x129xf32, #tpu.memory_space<vmem>> -> memref<8x8x129xf32, #tpu.memory_space<vmem>>
        tpu.vector_store_idx %parallel_loop3A_536[%select_n3A_128, %select_n3A_226, %parallel_loop3A_492], %parallel_loop3A_530 : memref<8x8x129xf32, #tpu.memory_space<vmem>>[vector<16xi32>, vector<16xi32>, vector<16xi32>], vector<16xf32>,
      } {sc.loop_unroll_factor = 4 : i64, sc.parallel_access}
      %dma_start3A_440 = arith.constant 1 : i32
      %dma_start3A_441 = arith.constant 0 : i32
      %dma_start3A_442 = arith.constant 0 : i32
      %dma_start3A_443 = arith.constant 0 : i32
      %dma_start3A_444 = tpu.memref_slice %arg7[%dma_start3A_440, %dma_start3A_441, %dma_start3A_442, %dma_start3A_443] : memref<2x8x8x129xf32, #tpu.memory_space<vmem>> -> memref<1x8x8x129xf32, #tpu.memory_space<vmem>>
      %dma_start3A_445 = tpu.memref_squeeze %dma_start3A_444 : memref<1x8x8x129xf32, #tpu.memory_space<vmem>> -> memref<8x8x129xf32, #tpu.memory_space<vmem>>
      %dma_start3A_446 = arith.constant 0 : i32
      %dma_start3A_447 = arith.constant 0 : i32
      %dma_start3A_448 = arith.constant 0 : i32
      %dma_start3A_449 = tpu.memref_slice %dma_start3A_445[%dma_start3A_446, %dma_start3A_447, %dma_start3A_448] : memref<8x8x129xf32, #tpu.memory_space<vmem>> -> memref<8x8x128xf32, #tpu.memory_space<vmem>>
      %dma_start3A_450 = arith.constant 0 : i32
      %dma_start3A_451 = arith.constant 0 : i32
      %dma_start3A_452 = arith.constant 0 : i32
      %dma_start3A_453 = arith.constant 0 : i32
      %dma_start3A_454 = tpu.memref_slice %arg4[%add3A_416, %dma_start3A_450, %dma_start3A_451, %dma_start3A_452, %dma_start3A_453] : memref<200x8x32x8x128xf32, #tpu.memory_space<hbm>> -> memref<1x8x32x8x128xf32, #tpu.memory_space<hbm>>
      %dma_start3A_455 = tpu.memref_squeeze %dma_start3A_454 : memref<1x8x32x8x128xf32, #tpu.memory_space<hbm>> -> memref<8x32x8x128xf32, #tpu.memory_space<hbm>>
      %dma_start3A_456 = arith.constant 0 : i32
      %dma_start3A_457 = arith.constant 0 : i32
      %dma_start3A_458 = arith.constant 0 : i32
      %dma_start3A_459 = tpu.memref_slice %dma_start3A_455[%dma_start3A_456, %add3A, %dma_start3A_457, %dma_start3A_458] : memref<8x32x8x128xf32, #tpu.memory_space<hbm>> -> memref<8x1x8x128xf32, #tpu.memory_space<hbm>>
      %dma_start3A_460 = tpu.memref_squeeze %dma_start3A_459 : memref<8x1x8x128xf32, #tpu.memory_space<hbm>> -> memref<8x8x128xf32, #tpu.memory_space<hbm>>
      %dma_start3A_461 = arith.constant 0 : i32
      %dma_start3A_462 = arith.constant 0 : i32
      %dma_start3A_463 = arith.constant 0 : i32
      %dma_start3A_464 = arith.constant 0 : i32
      %dma_start3A_465 = tpu.memref_slice %arg4[%add3A_416, %dma_start3A_461, %dma_start3A_462, %dma_start3A_463, %dma_start3A_464] : memref<200x8x32x8x128xf32, #tpu.memory_space<hbm>> -> memref<1x8x32x8x128xf32, #tpu.memory_space<hbm>>
      %dma_start3A_466 = tpu.memref_squeeze %dma_start3A_465 : memref<1x8x32x8x128xf32, #tpu.memory_space<hbm>> -> memref<8x32x8x128xf32, #tpu.memory_space<hbm>>
      %dma_start3A_467 = arith.constant 0 : i32
      %dma_start3A_468 = arith.constant 0 : i32
      %dma_start3A_469 = arith.constant 0 : i32
      %dma_start3A_470 = tpu.memref_slice %dma_start3A_466[%dma_start3A_467, %add3A, %dma_start3A_468, %dma_start3A_469] : memref<8x32x8x128xf32, #tpu.memory_space<hbm>> -> memref<8x1x8x128xf32, #tpu.memory_space<hbm>>
      %dma_start3A_471 = tpu.memref_squeeze %dma_start3A_470 : memref<8x1x8x128xf32, #tpu.memory_space<hbm>> -> memref<8x8x128xf32, #tpu.memory_space<hbm>>
      %dma_start3A_472 = arith.constant 0 : i32
      %dma_start3A_473 = arith.constant 0 : i32
      %dma_start3A_474 = arith.constant 0 : i32
      %dma_start3A_475 = tpu.memref_slice %arg7[%dma_start3A_440, %dma_start3A_472, %dma_start3A_473, %dma_start3A_474] : memref<2x8x8x129xf32, #tpu.memory_space<vmem>> -> memref<1x8x8x129xf32, #tpu.memory_space<vmem>>
      %dma_start3A_476 = tpu.memref_squeeze %dma_start3A_475 : memref<1x8x8x129xf32, #tpu.memory_space<vmem>> -> memref<8x8x129xf32, #tpu.memory_space<vmem>>
      %dma_start3A_477 = arith.constant 0 : i32
      %dma_start3A_478 = arith.constant 0 : i32
      %dma_start3A_479 = arith.constant 0 : i32
      %dma_start3A_480 = tpu.memref_slice %dma_start3A_476[%dma_start3A_477, %dma_start3A_478, %dma_start3A_479] : memref<8x8x129xf32, #tpu.memory_space<vmem>> -> memref<8x8x128xf32, #tpu.memory_space<vmem>>
      tpu.enqueue_dma source(%dma_start3A_480 : memref<8x8x128xf32, #tpu.memory_space<vmem>>) target(%dma_start3A_471 : memref<8x8x128xf32, #tpu.memory_space<hbm>>) target_semaphore(%arg11 : memref<!tpu.dma_semaphore, #tpu.memory_space<semaphore_mem>>)
      %add3A_481 = arith.constant 2 : i32
      %add3A_482 = arith.addi %add3A_416, %add3A_481 : i32
      %lt3A_483 = arith.constant 200 : i32
      %lt3A_484 = arith.cmpi slt, %add3A_482, %lt3A_483 : i32
      %convert_element_type3A_485 = arith.extui %lt3A_484 : i1 to i32
      %cond3A_486 = arith.constant 0 : i32
      %cond3A_487 = arith.cmpi ne, %convert_element_type3A_485, %cond3A_486 : i32
      scf.if %cond3A_487 {
        %add3A_488 = arith.constant 2 : i32
        %add3A_489 = arith.addi %add3A_416, %add3A_488 : i32
        %jit3A_490 = arith.constant 8 : i32
        %div3A_491 = arith.divsi %add3A_489, %jit3A_490 : i32
        %sign3A_492 = arith.constant 0 : i32
        %sign3A_493 = arith.cmpi sgt, %add3A_489, %sign3A_492 : i32
        %sign3A_494 = arith.extui %sign3A_493 : i1 to i32
        %sign3A_495 = arith.constant 0 : i32
        %sign3A_496 = arith.cmpi slt, %add3A_489, %sign3A_495 : i32
        %sign3A_497 = arith.extui %sign3A_496 : i1 to i32
        %sign3A_498 = arith.subi %sign3A_494, %sign3A_497 : i32
        %sign3A_499 = arith.constant 0 : i32
        %sign3A_500 = arith.cmpi sgt, %jit3A_490, %sign3A_499 : i32
        %sign3A_501 = arith.extui %sign3A_500 : i1 to i32
        %sign3A_502 = arith.constant 0 : i32
        %sign3A_503 = arith.cmpi slt, %jit3A_490, %sign3A_502 : i32
        %sign3A_504 = arith.extui %sign3A_503 : i1 to i32
        %sign3A_505 = arith.subi %sign3A_501, %sign3A_504 : i32
        %ne3A_506 = arith.cmpi ne, %sign3A_498, %sign3A_505 : i32
        %rem3A_507 = arith.remsi %add3A_489, %jit3A_490 : i32
        %ne3A_508 = arith.constant 0 : i32
        %ne3A_509 = arith.cmpi ne, %rem3A_507, %ne3A_508 : i32
        %and3A_510 = arith.andi %ne3A_506, %ne3A_509 : i1
        %sub3A_511 = arith.constant 1 : i32
        %sub3A_512 = arith.subi %div3A_491, %sub3A_511 : i32
        %select_n3A_513 = arith.select %and3A_510, %sub3A_512, %div3A_491 : i32
        %jit3A_514 = arith.constant 8 : i32
        %eq3A_515 = arith.constant 0 : i32
        %eq3A_516 = arith.cmpi eq, %jit3A_514, %eq3A_515 : i32
        %jit3A_517 = arith.constant 1 : i32
        %select_n3A_518 = arith.select %eq3A_516, %jit3A_517, %jit3A_514 : i32
        %rem3A_519 = arith.remsi %add3A_489, %select_n3A_518 : i32
        %ne3A_520 = arith.constant 0 : i32
        %ne3A_521 = arith.cmpi ne, %rem3A_519, %ne3A_520 : i32
        %lt3A_522 = arith.constant 0 : i32
        %lt3A_523 = arith.cmpi slt, %rem3A_519, %lt3A_522 : i32
        %lt3A_524 = arith.constant 0 : i32
        %lt3A_525 = arith.cmpi slt, %select_n3A_518, %lt3A_524 : i32
        %ne3A_526 = arith.xori %lt3A_523, %lt3A_525 : i1
        %and3A_527 = arith.andi %ne3A_526, %ne3A_521 : i1
        %add3A_528 = arith.addi %rem3A_519, %select_n3A_518 : i32
        %select_n3A_529 = arith.select %and3A_527, %add3A_528, %rem3A_519 : i32
        %dma_start3A_530 = arith.constant 1 : i32
        %dma_start3A_531 = arith.constant 0 : i32
        %dma_start3A_532 = arith.constant 0 : i32
        %dma_start3A_533 = tpu.memref_slice %arg6[%dma_start3A_530, %dma_start3A_531, %dma_start3A_532] : memref<2x128x64xf32, #tpu.memory_space<vmem>> -> memref<1x128x64xf32, #tpu.memory_space<vmem>>
        %dma_start3A_534 = tpu.memref_squeeze %dma_start3A_533 : memref<1x128x64xf32, #tpu.memory_space<vmem>> -> memref<128x64xf32, #tpu.memory_space<vmem>>
        %dma_start3A_535 = arith.constant 0 : i32
        %dma_start3A_536 = tpu.memref_slice %arg5[%select_n3A_513, %select_n3A_529, %dma_start3A_535] : memref<25x8x128xi32, #tpu.memory_space<vmem>> -> memref<1x1x128xi32, #tpu.memory_space<vmem>>
        %dma_start3A_537 = tpu.memref_squeeze %dma_start3A_536 : memref<1x1x128xi32, #tpu.memory_space<vmem>> -> memref<128xi32, #tpu.memory_space<vmem>>
        %dma_start3A_538 = arith.constant 0 : i32
        %dma_start3A_539 = arith.constant 0 : i32
        %dma_start3A_540 = tpu.memref_slice %arg3[%dma_start3A_538, %dma_start3A_539] : memref<1000000x64xf32, #tpu.memory_space<hbm>> -> memref<1000000x64xf32, #tpu.memory_space<hbm>>
        tpu.enqueue_indirect_dma source(%dma_start3A_540 : memref<1000000x64xf32, #tpu.memory_space<hbm>>) target(%dma_start3A_534 : memref<128x64xf32, #tpu.memory_space<vmem>>) offsets(%dma_start3A_537 : memref<128xi32, #tpu.memory_space<vmem>>) semaphore(%arg9 : memref<!tpu.dma_semaphore, #tpu.memory_space<semaphore_mem>>)
      } else {
      }
    }
    %scan3A_255 = arith.constant 100 : i32
    %dma_wait3A = arith.constant 0 : i32
    %dma_wait3A_256 = arith.constant 0 : i32
    %dma_wait3A_257 = arith.constant 0 : i32
    %dma_wait3A_258 = arith.constant 0 : i32
    %dma_wait3A_259 = arith.constant 0 : i32
    %dma_wait3A_260 = arith.constant 0 : i32
    %dma_wait3A_261 = tpu.memref_slice %arg7[%dma_wait3A, %dma_wait3A_258, %dma_wait3A_259, %dma_wait3A_260] : memref<2x8x8x129xf32, #tpu.memory_space<vmem>> -> memref<1x8x8x129xf32, #tpu.memory_space<vmem>>
    %dma_wait3A_262 = tpu.memref_squeeze %dma_wait3A_261 : memref<1x8x8x129xf32, #tpu.memory_space<vmem>> -> memref<8x8x129xf32, #tpu.memory_space<vmem>>
    %dma_wait3A_263 = arith.constant 0 : i32
    %dma_wait3A_264 = arith.constant 0 : i32
    %dma_wait3A_265 = arith.constant 0 : i32
    %dma_wait3A_266 = tpu.memref_slice %dma_wait3A_262[%dma_wait3A_263, %dma_wait3A_264, %dma_wait3A_265] : memref<8x8x129xf32, #tpu.memory_space<vmem>> -> memref<8x8x128xf32, #tpu.memory_space<vmem>>
    %dma_wait3A_267 = arith.constant 0 : i32
    %dma_wait3A_268 = arith.constant 0 : i32
    %dma_wait3A_269 = arith.constant 0 : i32
    %dma_wait3A_270 = arith.constant 0 : i32
    %dma_wait3A_271 = tpu.memref_slice %arg4[%dma_wait3A_256, %dma_wait3A_267, %dma_wait3A_268, %dma_wait3A_269, %dma_wait3A_270] : memref<200x8x32x8x128xf32, #tpu.memory_space<hbm>> -> memref<1x8x32x8x128xf32, #tpu.memory_space<hbm>>
    %dma_wait3A_272 = tpu.memref_squeeze %dma_wait3A_271 : memref<1x8x32x8x128xf32, #tpu.memory_space<hbm>> -> memref<8x32x8x128xf32, #tpu.memory_space<hbm>>
    %dma_wait3A_273 = arith.constant 0 : i32
    %dma_wait3A_274 = arith.constant 0 : i32
    %dma_wait3A_275 = arith.constant 0 : i32
    %dma_wait3A_276 = tpu.memref_slice %dma_wait3A_272[%dma_wait3A_273, %dma_wait3A_257, %dma_wait3A_274, %dma_wait3A_275] : memref<8x32x8x128xf32, #tpu.memory_space<hbm>> -> memref<8x1x8x128xf32, #tpu.memory_space<hbm>>
    %dma_wait3A_277 = tpu.memref_squeeze %dma_wait3A_276 : memref<8x1x8x128xf32, #tpu.memory_space<hbm>> -> memref<8x8x128xf32, #tpu.memory_space<hbm>>
    %dma_wait3A_278 = arith.constant 0 : i32
    %dma_wait3A_279 = arith.constant 0 : i32
    %dma_wait3A_280 = arith.constant 0 : i32
    %dma_wait3A_281 = arith.constant 0 : i32
    %dma_wait3A_282 = tpu.memref_slice %arg4[%dma_wait3A_256, %dma_wait3A_278, %dma_wait3A_279, %dma_wait3A_280, %dma_wait3A_281] : memref<200x8x32x8x128xf32, #tpu.memory_space<hbm>> -> memref<1x8x32x8x128xf32, #tpu.memory_space<hbm>>
    %dma_wait3A_283 = tpu.memref_squeeze %dma_wait3A_282 : memref<1x8x32x8x128xf32, #tpu.memory_space<hbm>> -> memref<8x32x8x128xf32, #tpu.memory_space<hbm>>
    %dma_wait3A_284 = arith.constant 0 : i32
    %dma_wait3A_285 = arith.constant 0 : i32
    %dma_wait3A_286 = arith.constant 0 : i32
    %dma_wait3A_287 = tpu.memref_slice %dma_wait3A_283[%dma_wait3A_284, %dma_wait3A_257, %dma_wait3A_285, %dma_wait3A_286] : memref<8x32x8x128xf32, #tpu.memory_space<hbm>> -> memref<8x1x8x128xf32, #tpu.memory_space<hbm>>
    %dma_wait3A_288 = tpu.memref_squeeze %dma_wait3A_287 : memref<8x1x8x128xf32, #tpu.memory_space<hbm>> -> memref<8x8x128xf32, #tpu.memory_space<hbm>>
    %dma_wait3A_289 = arith.constant 0 : i32
    %dma_wait3A_290 = arith.constant 0 : i32
    %dma_wait3A_291 = arith.constant 0 : i32
    %dma_wait3A_292 = tpu.memref_slice %arg7[%dma_wait3A, %dma_wait3A_289, %dma_wait3A_290, %dma_wait3A_291] : memref<2x8x8x129xf32, #tpu.memory_space<vmem>> -> memref<1x8x8x129xf32, #tpu.memory_space<vmem>>
    %dma_wait3A_293 = tpu.memref_squeeze %dma_wait3A_292 : memref<1x8x8x129xf32, #tpu.memory_space<vmem>> -> memref<8x8x129xf32, #tpu.memory_space<vmem>>
    %dma_wait3A_294 = arith.constant 0 : i32
    %dma_wait3A_295 = arith.constant 0 : i32
    %dma_wait3A_296 = arith.constant 0 : i32
    %dma_wait3A_297 = tpu.memref_slice %dma_wait3A_293[%dma_wait3A_294, %dma_wait3A_295, %dma_wait3A_296] : memref<8x8x129xf32, #tpu.memory_space<vmem>> -> memref<8x8x128xf32, #tpu.memory_space<vmem>>
    tpu.wait_dma2 semaphore(%arg10 : memref<!tpu.dma_semaphore, #tpu.memory_space<semaphore_mem>>) src(%dma_wait3A_297 : memref<8x8x128xf32, #tpu.memory_space<vmem>>) dst(%dma_wait3A_288 : memref<8x8x128xf32, #tpu.memory_space<hbm>>)
    %dma_wait3A_298 = arith.constant 1 : i32
    %dma_wait3A_299 = arith.constant 0 : i32
    %dma_wait3A_300 = arith.constant 0 : i32
    %dma_wait3A_301 = arith.constant 0 : i32
    %dma_wait3A_302 = arith.constant 0 : i32
    %dma_wait3A_303 = arith.constant 0 : i32
    %dma_wait3A_304 = tpu.memref_slice %arg7[%dma_wait3A_298, %dma_wait3A_301, %dma_wait3A_302, %dma_wait3A_303] : memref<2x8x8x129xf32, #tpu.memory_space<vmem>> -> memref<1x8x8x129xf32, #tpu.memory_space<vmem>>
    %dma_wait3A_305 = tpu.memref_squeeze %dma_wait3A_304 : memref<1x8x8x129xf32, #tpu.memory_space<vmem>> -> memref<8x8x129xf32, #tpu.memory_space<vmem>>
    %dma_wait3A_306 = arith.constant 0 : i32
    %dma_wait3A_307 = arith.constant 0 : i32
    %dma_wait3A_308 = arith.constant 0 : i32
    %dma_wait3A_309 = tpu.memref_slice %dma_wait3A_305[%dma_wait3A_306, %dma_wait3A_307, %dma_wait3A_308] : memref<8x8x129xf32, #tpu.memory_space<vmem>> -> memref<8x8x128xf32, #tpu.memory_space<vmem>>
    %dma_wait3A_310 = arith.constant 0 : i32
    %dma_wait3A_311 = arith.constant 0 : i32
    %dma_wait3A_312 = arith.constant 0 : i32
    %dma_wait3A_313 = arith.constant 0 : i32
    %dma_wait3A_314 = tpu.memref_slice %arg4[%dma_wait3A_299, %dma_wait3A_310, %dma_wait3A_311, %dma_wait3A_312, %dma_wait3A_313] : memref<200x8x32x8x128xf32, #tpu.memory_space<hbm>> -> memref<1x8x32x8x128xf32, #tpu.memory_space<hbm>>
    %dma_wait3A_315 = tpu.memref_squeeze %dma_wait3A_314 : memref<1x8x32x8x128xf32, #tpu.memory_space<hbm>> -> memref<8x32x8x128xf32, #tpu.memory_space<hbm>>
    %dma_wait3A_316 = arith.constant 0 : i32
    %dma_wait3A_317 = arith.constant 0 : i32
    %dma_wait3A_318 = arith.constant 0 : i32
    %dma_wait3A_319 = tpu.memref_slice %dma_wait3A_315[%dma_wait3A_316, %dma_wait3A_300, %dma_wait3A_317, %dma_wait3A_318] : memref<8x32x8x128xf32, #tpu.memory_space<hbm>> -> memref<8x1x8x128xf32, #tpu.memory_space<hbm>>
    %dma_wait3A_320 = tpu.memref_squeeze %dma_wait3A_319 : memref<8x1x8x128xf32, #tpu.memory_space<hbm>> -> memref<8x8x128xf32, #tpu.memory_space<hbm>>
    %dma_wait3A_321 = arith.constant 0 : i32
    %dma_wait3A_322 = arith.constant 0 : i32
    %dma_wait3A_323 = arith.constant 0 : i32
    %dma_wait3A_324 = arith.constant 0 : i32
    %dma_wait3A_325 = tpu.memref_slice %arg4[%dma_wait3A_299, %dma_wait3A_321, %dma_wait3A_322, %dma_wait3A_323, %dma_wait3A_324] : memref<200x8x32x8x128xf32, #tpu.memory_space<hbm>> -> memref<1x8x32x8x128xf32, #tpu.memory_space<hbm>>
    %dma_wait3A_326 = tpu.memref_squeeze %dma_wait3A_325 : memref<1x8x32x8x128xf32, #tpu.memory_space<hbm>> -> memref<8x32x8x128xf32, #tpu.memory_space<hbm>>
    %dma_wait3A_327 = arith.constant 0 : i32
    %dma_wait3A_328 = arith.constant 0 : i32
    %dma_wait3A_329 = arith.constant 0 : i32
    %dma_wait3A_330 = tpu.memref_slice %dma_wait3A_326[%dma_wait3A_327, %dma_wait3A_300, %dma_wait3A_328, %dma_wait3A_329] : memref<8x32x8x128xf32, #tpu.memory_space<hbm>> -> memref<8x1x8x128xf32, #tpu.memory_space<hbm>>
    %dma_wait3A_331 = tpu.memref_squeeze %dma_wait3A_330 : memref<8x1x8x128xf32, #tpu.memory_space<hbm>> -> memref<8x8x128xf32, #tpu.memory_space<hbm>>
    %dma_wait3A_332 = arith.constant 0 : i32
    %dma_wait3A_333 = arith.constant 0 : i32
    %dma_wait3A_334 = arith.constant 0 : i32
    %dma_wait3A_335 = tpu.memref_slice %arg7[%dma_wait3A_298, %dma_wait3A_332, %dma_wait3A_333, %dma_wait3A_334] : memref<2x8x8x129xf32, #tpu.memory_space<vmem>> -> memref<1x8x8x129xf32, #tpu.memory_space<vmem>>
    %dma_wait3A_336 = tpu.memref_squeeze %dma_wait3A_335 : memref<1x8x8x129xf32, #tpu.memory_space<vmem>> -> memref<8x8x129xf32, #tpu.memory_space<vmem>>
    %dma_wait3A_337 = arith.constant 0 : i32
    %dma_wait3A_338 = arith.constant 0 : i32
    %dma_wait3A_339 = arith.constant 0 : i32
    %dma_wait3A_340 = tpu.memref_slice %dma_wait3A_336[%dma_wait3A_337, %dma_wait3A_338, %dma_wait3A_339] : memref<8x8x129xf32, #tpu.memory_space<vmem>> -> memref<8x8x128xf32, #tpu.memory_space<vmem>>
    tpu.wait_dma2 semaphore(%arg11 : memref<!tpu.dma_semaphore, #tpu.memory_space<semaphore_mem>>) src(%dma_wait3A_340 : memref<8x8x128xf32, #tpu.memory_space<vmem>>) dst(%dma_wait3A_331 : memref<8x8x128xf32, #tpu.memory_space<hbm>>)
    return
  }
}

</mosaic_0001>

<sc_bundles>
// kernel: kernel.3.cloned.1.call-start
scs
__scs_entry_jumppad:
0x0: {  	(pc) =	sbr.rel $0x88, $3  }
0x1: {  	(tag) =	ssettag $0x0;
	lr =	simm.s32 $0x1  }
0x2: {  	[smem:$0x3F9F] =	sst lr;
	_ =	strace $0xD0000000  }
0x3: {  	_ = 	snop  }
0x4: {  	_ = 	snop  }
0x5: {  	_ = 	snop  }
0x6: {  	_ = 	snop  }
0x7: {  	_ = 	snop  }
__scs_overlays_trampoline_lowered:
0x8: {  	[smem:$0x3FAE] =	sst s0  }
0x9: {  	[smem:$0x3FAF] =	sst s1  }
0xa: {  	[smem:$0x3FB0] =	sst s2  }
0xb: {  	[smem:$0x3FB1] =	sst s3  }
0xc: {  	[smem:$0x3FB2] =	sst s4  }
0xd: {  	[smem:$0x3FB3] =	sst s5  }
0xe: {  	[smem:$0x3FB4] =	sst s6  }
0xf: {  	[smem:$0x3FB5] =	sst s7  }
0x10: {  	[smem:$0x3FB6] =	sst s8  }
0x11: {  	[smem:$0x3FB7] =	sst s9;
	s0 =	simm.s32 @!p0 $0x0  }
0x12: {  	s1 =	sld [smem:$0x3F9D];
	s0 =	simm.s32 @p0 $0x1  }
0x13: {  	[smem:$0x3FB8] =	sst s0;
	s0 =	simm.s32 @!p1 $0x0  }
0x14: {  	s2 =	sld [smem:$0x3F9C];
	s0 =	simm.s32 @p1 $0x1  }
0x15: {  	[smem:$0x3FB9] =	sst s0;
	s0 =	simm.s32 @!p2 $0x0  }
0x16: {  	s3 =	sld [smem:$0x3FDB];
	s0 =	simm.s32 @p2 $0x1  }
0x17: {  	s4 =	simm.s32 $0x1BF5;
	[smem:$0x3FBB] =	sst s0  }
0x18: {  	s0 =	sld [smem:$0x3F9E];
	_ =	swait.ge [sflag:s4], $0x0  }
0x19: {  	s7 =	sld [smem:$0x3F9F]  }
0x1a: {  	s8 =	sadd.s32 $0xFFFFE003, lr  }
0x1b: {  	s9 =	sadd.s32 $0xFFFFFEF7, lr;
	s5 =	simm.s32 $0xFFFFFFFF;
	p2 =	slt.u32 s8, $0xFFFFF086  }
0x1c: {  	p1 =	slt.u32 s9, $0xF7A;
	s5 =	simm.s32 @!p2 $0x0  }
0x1d: {  	s5 =	simm.s32 @p1 $0x1;
	p0 =	seq.s32 s7, s2  }
0x1e: {  	s7 =	smul.u32 @!p0 $0xF7A, s2;
	p2 =	seq.s32 @!p0 s5, $0x0  }
0x1f: {  	s9 =	smul.u32 $0xF7A, s1;
	s8 =	simm.s32 @!p0 $0x1BF5;
	p2 =	por !p2, p0  }
0x20: {  	[sflag:s8] =	ssyncset.s32 @!p0 $0xFFFFF086;
	s6 =	sadd.s32 @!p0 s3, s7;
	s7 =	simm.s32 @!p0 $0x108  }
0x21: {  	s3 =	sadd.s32 s3, s9;
	s6 =	sadd.s32 @!p0 $0x88, s6;
	s7 =	simm.s32 @p2 $0x1082  }
0x22: {  	[simem:s7], [sflag:s8] =	dma.local @!p0 [hbm:s6], $0xF7A  }
0x23: {  	s9 =	sor.u32 $0xD0000000, s2;
	s6 =	simm.s32 $0x108;
	_ =	swait.ge @!p0 [sflag:s8], $0x0  }
0x24: {  	s3 =	sadd.s32 $0x88, s3;
	s6 =	simm.s32 @!p1 $0x1082;
	[sflag:s4] =	ssyncset.s32 $0xFFFFF086  }
0x25: {  	[simem:s6], [sflag:s4] =	dma.local [hbm:s3], $0xF7A  }
0x26: {  	[smem:$0x3F9F] =	sst s1;
	(tag) =	ssettag s2;
	_ =	strace s9  }
0x27: {  	s1 =	sld [smem:$0x3FAF]  }
0x28: {  	s2 =	sld [smem:$0x3FB0]  }
0x29: {  	s4 =	sld [smem:$0x3FB2]  }
0x2a: {  	p0 =	seq.s32 s5, $0x0;
	s5 =	sld [smem:$0x3FB3]  }
0x2b: {  	s6 =	sld [smem:$0x3FB4]  }
0x2c: {  	s7 =	sld [smem:$0x3FB5]  }
0x2d: {  	s3 =	simm.s32 $0x108;
	s8 =	sld [smem:$0x3FB6]  }
0x2e: {  	s3 =	simm.s32 @!p0 $0x1082;
	s9 =	sld [smem:$0x3FB7]  }
0x2f: {  	lr =	sadd.s32 s0, s3;
	s0 =	sld [smem:$0x3FAE]  }
0x30: {  	s3 =	sld [smem:$0x3FB1]  }
0x31: {  	[smem:$0x3FBA] =	sst s10  }
0x32: {  	s10 =	sld [smem:$0x3FB8];
	_ =	sdelay $0x3  }
0x33: {  	p0 =	seq.s32 s10, $0x1;
	s10 =	sld [smem:$0x3FBA];
	_ =	sdelay $0x3  }
0x34: {  	[smem:$0x3FBA] =	sst s10  }
0x35: {  	s10 =	sld [smem:$0x3FB9];
	_ =	sdelay $0x3  }
0x36: {  	p1 =	seq.s32 s10, $0x1;
	s10 =	sld [smem:$0x3FBA];
	_ =	sdelay $0x3  }
0x37: {  	[smem:$0x3FBA] =	sst s10  }
0x38: {  	s10 =	sld [smem:$0x3FBB]  }
0x39: {  	_ = 	snop;
	(pc) =	sbr.ind lr, $3  }
0x3a: {  	_ = 	snop  }
0x3b: {  	_ = 	snop  }
0x3c: {  	p2 =	seq.s32 s10, $0x1;
	s10 =	sld [smem:$0x3FBA]  }
0x3d: {  	_ =	shalt  }
0x3e: {  	_ =	shalt  }
0x3f: {  	_ =	shalt  }
0x40: {  	_ =	shalt  }
0x41: {  	_ =	shalt  }
0x42: {  	_ =	shalt  }
0x43: {  	_ =	shalt  }
0x44: {  	_ =	shalt  }
0x45: {  	_ =	shalt  }
0x46: {  	_ =	shalt  }
0x47: {  	_ =	shalt  }
0x48: {  	_ =	shalt  }
0x49: {  	_ =	shalt  }
0x4a: {  	_ =	shalt  }
0x4b: {  	_ =	shalt  }
0x4c: {  	_ =	shalt  }
0x4d: {  	_ =	shalt  }
0x4e: {  	_ =	shalt  }
0x4f: {  	_ =	shalt  }
0x50: {  	_ =	shalt  }
0x51: {  	_ =	shalt  }
0x52: {  	_ =	shalt  }
0x53: {  	_ =	shalt  }
0x54: {  	_ =	shalt  }
0x55: {  	_ =	shalt  }
0x56: {  	_ =	shalt  }
0x57: {  	_ =	shalt  }
0x58: {  	_ =	shalt  }
0x59: {  	_ =	shalt  }
0x5a: {  	_ =	shalt  }
0x5b: {  	_ =	shalt  }
0x5c: {  	_ =	shalt  }
0x5d: {  	_ =	shalt  }
0x5e: {  	_ =	shalt  }
0x5f: {  	_ =	shalt  }
0x60: {  	_ =	shalt  }
0x61: {  	_ =	shalt  }
0x62: {  	_ =	shalt  }
0x63: {  	_ =	shalt  }
0x64: {  	_ =	shalt  }
0x65: {  	_ =	shalt  }
0x66: {  	_ =	shalt  }
0x67: {  	_ =	shalt  }
0x68: {  	_ =	shalt  }
0x69: {  	_ =	shalt  }
0x6a: {  	_ =	shalt  }
0x6b: {  	_ =	shalt  }
0x6c: {  	_ =	shalt  }
0x6d: {  	_ =	shalt  }
0x6e: {  	_ =	shalt  }
0x6f: {  	_ =	shalt  }
0x70: {  	_ =	shalt  }
0x71: {  	_ =	shalt  }
0x72: {  	_ =	shalt  }
0x73: {  	_ =	shalt  }
0x74: {  	_ =	shalt  }
0x75: {  	_ =	shalt  }
0x76: {  	_ =	shalt  }
0x77: {  	_ =	shalt  }
0x78: {  	_ =	shalt  }
0x79: {  	_ =	shalt  }
0x7a: {  	_ =	shalt  }
0x7b: {  	_ =	shalt  }
0x7c: {  	_ =	shalt  }
0x7d: {  	_ =	shalt  }
0x7e: {  	_ =	shalt  }
0x7f: {  	_ =	shalt  }
0x80: {  	_ =	shalt  }
0x81: {  	_ =	shalt  }
0x82: {  	_ =	shalt  }
0x83: {  	_ =	shalt  }
0x84: {  	_ =	shalt  }
0x85: {  	_ =	shalt  }
0x86: {  	_ =	shalt  }
0x87: {  	_ =	shalt  }
.Lfunc_end0:
.L_simem_size_0:
called_computation_lowered:
.L_overlay_start_0:
0x88: {  	s2 =	sld [smem:$0x3FD9]  }
0x89: {  	s3 =	sld [smem:$0x3FFE];
	_ =	sdelay $0x1  }
0x8a: {  	s1 =	srdreg.scid  }
0x8b: {  	s0 =	sand.u32 $0x1, s1  }
0x8c: {  	s17 =	sshll.u32 s0, $0xA;
	s2 =	sadd.s32 s3, s2  }
0x8d: {  	s2 =	sadd.s32 s2, s17  }
0x8e: {  	[smem:$0x3FC6] =	sst s2  }
0x8f: {  	_ = 	snop  }
0x90: {  	s2 =	sld [smem:$0x3FC9]  }
0x91: {  	s18 =	sld [smem:$0x3FD0];
	(tm) =	ssettm $0x1  }
0x92: {  	s4 =	sld [smem:$0x3FFB];
	_ =	sdelay $0x3  }
0x93: {  	_ =	strace s4  }
0x94: {  	s4 =	sld [smem:$0x3FFC];
	_ =	sdelay $0x3  }
0x95: {  	_ =	strace s4  }
0x96: {  	s4 =	sld [smem:$0x3FFD];
	_ =	sdelay $0x3  }
0x97: {  	_ =	strace s4  }
0x98: {  	_ =	strace $0x8FFFFFFF  }
0x99: {  	s19 =	sld [smem:$0x3FDB];
	_ =	sdelay $0x1  }
0x9a: {  	s5 =	simm.s32 $_scs_section_size  }
0x9b: {  	s6 =	simm.s32 $_size__tile_overlayer_lowered;
	s7 =	simm.s32 $_tile_overlayer_lowered  }
0x9c: {  	s22 =	simm.s32 $0x1BFF;
	s21 =	sshll.u32 s7, $0x1;
	s4 =	sadd.s32 s5, s19  }
0x9d: {  	s8 =	simm.s32 $0x0;
	s20 =	sshll.u32 s6, $0x1;
	s6 =	sadd.s32 s21, s4  }
0x9e: {  	[timem:s8], [sflag:s22] =	dma.local [hbm:s6], s20  }
0x9f: {  	_ =	swait.ge [sflag:s22], s20  }
0xa0: {  	s5 =	ssub.s32 $0x0, s20;
	[sflag:s22] =	ssyncset.done $0x0  }
0xa1: {  	[sflag:s22] =	ssyncadd.s32 s5;
	_ =	sdelay $0x1  }
0xa2: {  	s23 =	simm.s32 $0x1B8B  }
0xa3: {  	_ =	swait.ge [sflag:s23], $0x1  }
0xa4: {  	[sflag:s23] =	ssyncset.done $0x0  }
0xa5: {  	s25 =	simm.s32 $0x1B8E;
	s24 =	sld [smem:$0x3FFE];
	[sflag:s23] =	ssyncadd.s32 $0xFFFFFFFF  }
0xa6: {  	s26 =	simm.s32 $execute0_lowered;
	[smem:$0x3FD2] =	sst s25  }
0xa7: {  	s6 =	sshll.u32 s26, $0x1;
	_ =	strace $0x80000046;
	[dreg:$0x1] =	wrdreg $0xFFFFFFFF  }
0xa8: {  	s28 =	simm.s32 $_size_execute0_lowered;
	s4 =	sadd.s32 s4, s6;
	[dreg:$0x0] =	wrdreg $0x0  }
0xa9: {  	s6 =	sshll.u32 s28, $0x1;
	[dreg:$0x2] =	wrdreg s4  }
0xaa: {  	[dreg:$0x3] =	wrdreg s6  }
0xab: {  	[dreg:$0x4] =	wrdreg $0xC0  }
0xac: {  	_ =	task [dreg:s8], $0x5FFFF  }
0xad: {  	[dreg:$0x1] =	wrdreg $0xFFFFFFFF  }
0xae: {  	[dreg:$0x0] =	wrdreg $0x60  }
0xaf: {  	[dreg:$0x2] =	wrdreg s2  }
0xb0: {  	[dreg:$0x3] =	wrdreg s24  }
0xb1: {  	[dreg:$0x4] =	wrdreg s18  }
0xb2: {  	[dreg:$0x5] =	wrdreg $0x9  }
0xb3: {  	_ =	task.clear_ibuf [dreg:s8], $0x6FFFF;
	_ =	strace $0x90000046  }
0xb4: {  	s29 =	simm.s32 $0x9;
	_ =	strace $0x80000048  }
0xb5: {  	_ =	swait.ge [sflag:s29], $0x1  }
0xb6: {  	[sflag:s29] =	ssyncadd.s32 $0xFFFFFFFF  }
0xb7: {  	_ =	strace $0x90000048  }
0xb8: {  	_ =	sfence  }
0xb9: {  	s30 =	sld [smem:$0x0];
	_ =	sdelay $0x2  }
0xba: {  	s31 =	sshll.u32 s1, $0xD;
	s1 =	sshrl.u32 s1, $0x2  }
0xbb: {  	s3 =	sand.u32 $0x4000, s31;
	s1 =	sadd.s32 s1, s30  }
0xbc: {  	s0 =	sor.u32 s3, s0;
	s1 =	sshll.u32 s1, $0x11  }
0xbd: {  	s0 =	sor.u32 s1, s0  }
0xbe: {  	s0 =	sadd.s32 $0x8F2B, s0  }
0xbf: {  	[sflag:s0] =	ssyncadd.remote.s32 $0x1  }
0xc0: {  	_ =	sfence.sel $0xFFFF  }
0xc1: {  	[dreg:$0x0] =	wrdreg $0xFFFFFFFF;
	(pc) =	sbr.abs _section_cstart, $3  }
0xc2: {  	[dreg:$0x1] =	wrdreg $0xFFFFFFFF  }
0xc3: {  	_ =	task.clear_ibuf [dreg:s8], $0x2FFFF;
	_ =	strace $0x9FFFFFFF  }
0xc4: {  	(tm) =	ssettm $0x7FFFFFFF  }
0xc5: {  	_ =	shalt  }
tec
execute0_lowered:
.L_overlay_start_1:
0x0: {  	(tag) =	ssettag $0x1  }
0x1: {  	s6 =	rddreg [dreg:$0x0]  }
0x2: {  	s5 =	rddreg [dreg:$0x1]  }
0x3: {  	s1 =	rddreg [dreg:$0x2]  }
0x4: {  	s0 =	rddreg [dreg:$0x3]  }
0x5: {  	s3 =	simm.s32 $0x0;
	s4 =	srdreg.scid;
	s2 =	stileid.u32  }
0x6: {  	s10 =	simm.s32 $0x8000;
	s11 =	simm.s32 $0x5;
	s12 =	simm.s32 $0x80  }
0x7: {  	s13 =	simm.s32 $0x6400;
	s14 =	simm.s32 $0x8400;
	s15 =	simm.s32 $0x1  }
0x8: {  	s16 =	simm.s32 $0xA400;
	s17 =	simm.s32 $0x2;
	s18 =	simm.s32 $0x4  }
0x9: {  	s19 =	simm.s32 $0xC600;
	s20 =	simm.s32 $0x3;
	s21 =	simm.s32 $0x0  }
.Ltmp0:
0xa: {  	[smem:$0x7FF] =	sst s3;
	s4 =	sand.u32 $0x1, s4;
	(pc) =	sbr.rel .LBB2_1-.Ltmp0, $4  }
0xb: {  	v0 =	vlaneseq.u32;
	s8 =	sshll.u32 s2, $0x8;
	s7 =	ssub.s32 $0x2, s4;
	s4 =	sshll.u32 s4, $0x7  }
0xc: {  	s5 =	sadd.s32 $0xF42800, s5;
	v0 =	vmul.u32 $0x88, v0;
	s9 =	sshrl.u32 s7, $0x1;
	s4 =	sor.u32 s4, s8  }
0xd: {  	_ =	strace $0x80000047;
	s31 =	ssub.s32 s7, s9;
	s6 =	sadd.s32 s6, s4  }
0xe: {  	v1 =	vadd.s32 $0x880, v0;
	v2 =	vadd.s32 $0x1100, v0;
	v3 =	vadd.s32 $0x1980, v0;
	s7 =	sadd.s32 $0x8000, s1;
	s9 =	simm.s32 $0x400;
	s8 =	smax.u32 s31, $0x1  }
.LBB2_16:
0xf: {  	s21 =	sadd.s32 $0x1, s21  }
0x10: {  	_ =	swait.ge [sflag:s20], $0x2000;
	p0 =	sne.s32 s21, s8  }
.Ltmp1:
0x11: {  	[sflag:s20] =	ssyncset.done $0x0;
	(pc) =	sbr.rel @!p0 .LBB2_17-.Ltmp1, $4  }
0x12: {  	[sflag:s20] =	ssyncadd.s32 $0xFFFFE000  }
0x13: {  	_ =	swait.ge [sflag:s18], $0x2000  }
0x14: {  	[sflag:s18] =	ssyncset.done $0x0  }
0x15: {  	[sflag:s18] =	ssyncadd.s32 $0xFFFFE000  }
.LBB2_1:
0x16: {  	[tilespmem:s3], [sflag:$0x5] =	stream.strided.gather [hbm4b:s6+s9], $0x6400, s10, s9, $0x38;
	[tilespmem:$0xE800] =	vst v63  }
0x17: {  	_ =	swait.ge [sflag:s11], $0x6400  }
0x18: {  	[sflag:s11] =	ssyncset.done $0x0  }
0x19: {  	[sflag:s11] =	ssyncadd.s32 $0xFFFF9C00  }
0x1a: {  	[tilespmem:s13], [sflag:$0x1] =	stream.indirect.gather [hbm4b:s5+s12], $0x40, s3, s12, $0xb8;
	[tilespmem:$0xE800] =	vst v63  }
0x1b: {  	s22 =	simm.s32 $0x0  }
0x1c: {  	[tilespmem:s14], [sflag:$0x2] =	stream.indirect.gather [hbm4b:s5+s12], $0x40, s12, s12, $0xb8;
	[tilespmem:$0xE800] =	vst v63  }
.LBB2_2:
0x1d: {  	_ =	swait.ge [sflag:s15], $0x2000  }
0x1e: {  	p0 =	seq.s32 s22, $0x0;
	[sflag:s15] =	ssyncset.done $0x0  }
0x1f: {  	s23 =	simm.s32 @!p0 $0x3;
	[sflag:s15] =	ssyncadd.s32 $0xFFFFE000  }
0x20: {  	s24 =	simm.s32 $0x3;
	_ =	swait.ge @!p0 [sflag:s23], $0x2000  }
0x21: {  	s26 =	simm.s32 $0x0;
	v4 =	vmov s24;
	[sflag:s23] =	ssyncset.done @!p0 $0x0  }
0x22: {  	s25 =	simm.s32 $0x6480;
	s30 =	simm.s32 $0x1;
	v5 =	vand.u32 $0x7F, v4;
	v4 =	vmov s26;
	[sflag:s23] =	ssyncadd.s32 @!p0 $0xFFFFE000  }
0x23: {  	v8 =	vadd.s32 v0, v5;
	v6 =	vand.u32 $0x7C, v4;
	v4 =	vmov s30;
	v7 =	vld [tilespmem:s25+$0x40]  }
0x24: {  	v10 =	vadd.s32 v0, v6;
	v11 =	vand.u32 $0x7D, v4;
	v9 =	vld [tilespmem:s25+$0xFFFFFF80]  }
0x25: {  	s31 =	simm.s32 $0x2;
	v12 =	vadd.s32 v0, v11;
	v4 =	vld [tilespmem:s25+$0xFFFFFFC0]  }
0x26: {  	v13 =	vmov s31  }
0x27: {  	v13 =	vand.u32 $0x7E, v13  }
0x28: {  	v15 =	vadd.s32 v0, v13;
	v14 =	vld [tilespmem:s25+$0x0];
	[tilespmem:v8+s16+$0x0] =	vst.idx.msk $0xffff, v7  }
0x29: {  	v8 =	vadd.s32 v1, v5;
	[tilespmem:v10+s16+$0x0] =	vst.idx.msk $0xffff, v9;
	v7 =	vld [tilespmem:s25+$0x50]  }
0x2a: {  	v10 =	vadd.s32 v1, v6;
	[tilespmem:v12+s16+$0x0] =	vst.idx.msk $0xffff, v4;
	v9 =	vld [tilespmem:s25+$0xFFFFFF90]  }
0x2b: {  	v12 =	vadd.s32 v1, v11;
	v4 =	vld [tilespmem:s25+$0xFFFFFFD0];
	_ =	sdelay $0x1  }
0x2c: {  	[tilespmem:v15+s16+$0x0] =	vst.idx.msk $0xffff, v14  }
0x2d: {  	v16 =	vadd.s32 v1, v13;
	v15 =	vld [tilespmem:s25+$0x10];
	[tilespmem:v8+s16+$0x0] =	vst.idx.msk $0xffff, v7  }
0x2e: {  	s24 =	simm.s32 $0x7;
	v14 =	vadd.s32 v2, v5;
	[tilespmem:v10+s16+$0x0] =	vst.idx.msk $0xffff, v9;
	v7 =	vld [tilespmem:s25+$0x60]  }
0x2f: {  	v10 =	vadd.s32 v2, v6;
	v8 =	vmov s24;
	[tilespmem:v12+s16+$0x0] =	vst.idx.msk $0xffff, v4;
	v9 =	vld [tilespmem:s25+$0xFFFFFFA0]  }
0x30: {  	v17 =	vadd.s32 v2, v11;
	s24 =	simm.s32 $0x6580;
	v8 =	vand.u32 $0x7F, v8;
	v12 =	vld [tilespmem:s25+$0xFFFFFFE0]  }
0x31: {  	s26 =	simm.s32 $0x4;
	v18 =	vld [tilespmem:s24+$0x40];
	v19 =	vadd.s32 v0, v8  }
0x32: {  	s30 =	simm.s32 $0x5;
	v4 =	vmov s26;
	[tilespmem:v16+s16+$0x0] =	vst.idx.msk $0xffff, v15  }
0x33: {  	v22 =	vmov s30;
	v4 =	vand.u32 $0x7C, v4;
	[tilespmem:v14+s16+$0x0] =	vst.idx.msk $0xffff, v7  }
0x34: {  	s31 =	simm.s32 $0x6;
	v20 =	vld [tilespmem:s24+$0xFFFFFF80];
	v21 =	vadd.s32 v0, v4;
	v7 =	vand.u32 $0x7D, v22;
	[tilespmem:v10+s16+$0x0] =	vst.idx.msk $0xffff, v9  }
0x35: {  	v14 =	vmov s31;
	v9 =	vld [tilespmem:s24+$0xFFFFFFC0];
	[tilespmem:v17+s16+$0x0] =	vst.idx.msk $0xffff, v12;
	v10 =	vadd.s32 v0, v7  }
0x36: {  	v16 =	vadd.s32 v3, v5;
	v12 =	vld [tilespmem:s25+$0x20];
	v5 =	vand.u32 $0x7E, v14;
	[tilespmem:v19+s16+$0x0] =	vst.idx.msk $0xffff, v18;
	v18 =	vadd.s32 v2, v13  }
0x37: {  	v14 =	vld [tilespmem:s24+$0x0];
	v63 =	vadd.s32 v0, v5  }
0x38: {  	v15 =	vld [tilespmem:s25+$0x70]  }
0x39: {  	[tilespmem:v21+s16+$0x0] =	vst.idx.msk $0xffff, v20;
	v20 =	vadd.s32 v1, v8;
	v19 =	vld [tilespmem:s24+$0x50]  }
0x3a: {  	v23 =	vadd.s32 v1, v4;
	v21 =	vld [tilespmem:s24+$0xFFFFFF90];
	[tilespmem:v10+s16+$0x0] =	vst.idx.msk $0xffff, v9  }
0x3b: {  	v25 =	vadd.s32 v3, v11;
	v24 =	vld [tilespmem:s25+$0xFFFFFFF0];
	[tilespmem:v18+s16+$0x0] =	vst.idx.msk $0xffff, v12  }
0x3c: {  	v18 =	vadd.s32 v1, v7;
	v17 =	vld [tilespmem:s24+$0xFFFFFFD0];
	[tilespmem:v63+s16+$0x0] =	vst.idx.msk $0xffff, v14  }
0x3d: {  	[tilespmem:v16+s16+$0x0] =	vst.idx.msk $0xffff, v15;
	v16 =	vadd.s32 v1, v5;
	v14 =	vld [tilespmem:s24+$0x10]  }
0x3e: {  	v15 =	vadd.s32 v3, v13;
	[tilespmem:v20+s16+$0x0] =	vst.idx.msk $0xffff, v19;
	v10 =	vld [tilespmem:s25+$0x30]  }
0x3f: {  	s29 =	simm.s32 $0xB;
	v12 =	vadd.s32 v2, v8;
	[tilespmem:v23+s16+$0x0] =	vst.idx.msk $0xffff, v21;
	v9 =	vld [tilespmem:s24+$0x60]  }
0x40: {  	s28 =	simm.s32 $0xC;
	s23 =	sshll.u32 s22, $0x1;
	s26 =	simm.s32 $0x8;
	v13 =	vadd.s32 v2, v4;
	[tilespmem:v25+s16+$0x0] =	vst.idx.msk $0xffff, v24;
	v11 =	vld [tilespmem:s24+$0xFFFFFFA0]  }
.LBB2_3:
0x41: {  	p1 =	slt.u32 s28, $0x7C;
	v19 =	vmov s29;
	[tilespmem:v18+s16+$0x0] =	vst.idx.msk $0xffff, v17;
	v17 =	vld [tilespmem:s25+$0xFFFFFFB0];
	v18 =	vadd.s32 v3, v6;
	v6 =	vmov v4;
	s25 =	smov.u32 s24  }
0x42: {  	v4 =	vmov s26;
	v21 =	vadd.s32 v2, v7;
	s24 =	sadd.s32 $0x100, s24;
	v19 =	vand.u32 $0x7F, v19;
	v20 =	vld [tilespmem:s25+$0xFFFFFFE0];
	[tilespmem:v16+s16+$0x0] =	vst.idx.msk $0xffff, v14  }
0x43: {  	s29 =	sadd.s32 $0x1, s26;
	v4 =	vand.u32 $0x7C, v4;
	v14 =	vld [tilespmem:s24+$0x40];
	v16 =	vadd.s32 v0, v19;
	[tilespmem:v15+s16+$0x0] =	vst.idx.msk $0xffff, v10  }
0x44: {  	v22 =	vmov s29;
	s29 =	sadd.s32 $0x2, s26;
	s26 =	smov.u32 s28;
	v15 =	vadd.s32 v0, v4;
	v10 =	vld [tilespmem:s24+$0xFFFFFF80];
	[tilespmem:v12+s16+$0x0] =	vst.idx.msk $0xffff, v9  }
0x45: {  	v9 =	vand.u32 $0x7D, v22;
	v12 =	vmov s29;
	[tilespmem:v13+s16+$0x0] =	vst.idx.msk $0xffff, v11;
	v11 =	vld [tilespmem:s25+$0x70];
	v13 =	vadd.s32 v3, v8;
	v8 =	vmovc v19  }
0x46: {  	v22 =	vadd.s32 v0, v9;
	v12 =	vand.u32 $0x7E, v12;
	v19 =	vld [tilespmem:s24+$0xFFFFFFC0];
	[tilespmem:v18+s16+$0x0] =	vst.idx.msk $0xffff, v17  }
0x47: {  	v24 =	vadd.s32 v0, v12;
	v23 =	vld [tilespmem:s24+$0x0];
	[tilespmem:v21+s16+$0x0] =	vst.idx.msk $0xffff, v20  }
0x48: {  	v21 =	vadd.s32 v2, v5;
	[tilespmem:v16+s16+$0x0] =	vst.idx.msk $0xffff, v14;
	v20 =	vld [tilespmem:s25+$0x20]  }
0x49: {  	[tilespmem:v15+s16+$0x0] =	vst.idx.msk $0xffff, v10;
	v10 =	vld [tilespmem:s24+$0x50];
	v15 =	vadd.s32 v1, v8  }
0x4a: {  	v26 =	vadd.s32 v1, v4;
	v25 =	vld [tilespmem:s24+$0xFFFFFF90];
	[tilespmem:v13+s16+$0x0] =	vst.idx.msk $0xffff, v11  }
0x4b: {  	[tilespmem:v22+s16+$0x0] =	vst.idx.msk $0xffff, v19;
	v19 =	vld [tilespmem:s25+$0xFFFFFFF0];
	v22 =	vadd.s32 v3, v7;
	v7 =	vmov v9  }
.Ltmp2:
0x4c: {  	v17 =	vld [tilespmem:s24+$0xFFFFFFD0];
	v18 =	vadd.s32 v1, v7;
	[tilespmem:v24+s16+$0x0] =	vst.idx.msk $0xffff, v23;
	(pc) =	sbr.rel @p1 .LBB2_3-.Ltmp2, $4  }
0x4d: {  	v16 =	vadd.s32 v1, v12;
	v14 =	vld [tilespmem:s24+$0x10];
	[tilespmem:v21+s16+$0x0] =	vst.idx.msk $0xffff, v20  }
0x4e: {  	[tilespmem:v15+s16+$0x0] =	vst.idx.msk $0xffff, v10;
	v10 =	vld [tilespmem:s25+$0x30];
	v15 =	vadd.s32 v3, v5;
	v5 =	vmov v12  }
0x4f: {  	v12 =	vadd.s32 v2, v8;
	[tilespmem:v26+s16+$0x0] =	vst.idx.msk $0xffff, v25;
	v9 =	vld [tilespmem:s24+$0x60]  }
0x50: {  	s28 =	sadd.s32 $0x4, s28;
	s29 =	sadd.s32 $0x3, s26;
	v13 =	vadd.s32 v2, v4;
	v11 =	vld [tilespmem:s24+$0xFFFFFFA0];
	[tilespmem:v22+s16+$0x0] =	vst.idx.msk $0xffff, v19  }
0x51: {  	_ =	sdelay $0x2  }
0x52: {  	v19 =	vmov s29  }
0x53: {  	s28 =	sadd.s32 $0x1, s26;
	[tilespmem:v18+s16+$0x0] =	vst.idx.msk $0xffff, v17;
	v30 =	vld [tilespmem:s25+$0xFFFFFFB0];
	v6 =	vadd.s32 v3, v6;
	s31 =	sadd.s32 $0x100, s24;
	v21 =	vmov s26;
	v31 =	vand.u32 $0x7F, v19  }
0x54: {  	v32 =	vmov s28;
	s28 =	sadd.s32 $0x2, s26;
	[tilespmem:v16+s16+$0x0] =	vst.idx.msk $0xffff, v14;
	v33 =	vld [tilespmem:s31+$0x40];
	v21 =	vand.u32 $0x7C, v21;
	v34 =	vadd.s32 v0, v31  }
0x55: {  	v22 =	vld [tilespmem:s31+$0xFFFFFF80];
	v19 =	vand.u32 $0x7D, v32;
	v20 =	vmov s28;
	[tilespmem:v15+s16+$0x0] =	vst.idx.msk $0xffff, v10;
	v39 =	vadd.s32 v0, v21  }
0x56: {  	v35 =	vld [tilespmem:s31+$0xFFFFFFC0];
	v36 =	vadd.s32 v0, v19;
	v20 =	vand.u32 $0x7E, v20;
	[tilespmem:v12+s16+$0x0] =	vst.idx.msk $0xffff, v9  }
0x57: {  	v37 =	vld [tilespmem:s31+$0x0];
	v38 =	vadd.s32 v0, v20;
	[tilespmem:v13+s16+$0x0] =	vst.idx.msk $0xffff, v11  }
0x58: {  	v41 =	vadd.s32 v2, v7;
	v40 =	vld [tilespmem:s24+$0xFFFFFFE0];
	[tilespmem:v6+s16+$0x0] =	vst.idx.msk $0xffff, v30  }
0x59: {  	v49 =	vadd.s32 v2, v5;
	v48 =	vld [tilespmem:s24+$0x20];
	[tilespmem:v34+s16+$0x0] =	vst.idx.msk $0xffff, v33  }
0x5a: {  	v43 =	vadd.s32 v1, v31;
	[tilespmem:v39+s16+$0x0] =	vst.idx.msk $0xffff, v22;
	v14 =	vld [tilespmem:s31+$0x50]  }
0x5b: {  	v47 =	vadd.s32 v1, v21;
	[tilespmem:v36+s16+$0x0] =	vst.idx.msk $0xffff, v35;
	v46 =	vld [tilespmem:s31+$0xFFFFFF90]  }
0x5c: {  	v44 =	vadd.s32 v1, v19;
	v10 =	vld [tilespmem:s31+$0xFFFFFFD0];
	[tilespmem:v38+s16+$0x0] =	vst.idx.msk $0xffff, v37  }
0x5d: {  	v45 =	vadd.s32 v1, v20;
	[tilespmem:v41+s16+$0x0] =	vst.idx.msk $0xffff, v40;
	v9 =	vld [tilespmem:s31+$0x10]  }
0x5e: {  	v8 =	vadd.s32 v3, v8;
	v42 =	vld [tilespmem:s24+$0x70];
	[tilespmem:v49+s16+$0x0] =	vst.idx.msk $0xffff, v48  }
0x5f: {  	v5 =	vadd.s32 v3, v5;
	v13 =	vld [tilespmem:s24+$0x30];
	[tilespmem:v43+s16+$0x0] =	vst.idx.msk $0xffff, v14  }
0x60: {  	v52 =	vadd.s32 v2, v31;
	[tilespmem:v47+s16+$0x0] =	vst.idx.msk $0xffff, v46;
	v14 =	vld [tilespmem:s31+$0x60]  }
0x61: {  	v57 =	vadd.s32 v2, v21;
	[tilespmem:v44+s16+$0x0] =	vst.idx.msk $0xffff, v10;
	v56 =	vld [tilespmem:s31+$0xFFFFFFA0]  }
0x62: {  	v53 =	vadd.s32 v2, v19;
	v10 =	vld [tilespmem:s31+$0xFFFFFFE0];
	[tilespmem:v45+s16+$0x0] =	vst.idx.msk $0xffff, v9  }
0x63: {  	v55 =	vadd.s32 v2, v20;
	[tilespmem:v8+s16+$0x0] =	vst.idx.msk $0xffff, v42;
	v54 =	vld [tilespmem:s31+$0x20]  }
0x64: {  	v4 =	vadd.s32 v3, v4;
	v58 =	vld [tilespmem:s24+$0xFFFFFFB0];
	[tilespmem:v5+s16+$0x0] =	vst.idx.msk $0xffff, v13  }
0x65: {  	v51 =	vadd.s32 v3, v7;
	v50 =	vld [tilespmem:s24+$0xFFFFFFF0];
	[tilespmem:v52+s16+$0x0] =	vst.idx.msk $0xffff, v14  }
0x66: {  	v60 =	vadd.s32 v3, v31;
	[tilespmem:v57+s16+$0x0] =	vst.idx.msk $0xffff, v56;
	v59 =	vld [tilespmem:s31+$0x70]  }
0x67: {  	v63 =	vadd.s32 v3, v21;
	[tilespmem:v53+s16+$0x0] =	vst.idx.msk $0xffff, v10;
	v5 =	vld [tilespmem:s31+$0xFFFFFFB0]  }
0x68: {  	v61 =	vadd.s32 v3, v19;
	v10 =	vld [tilespmem:s31+$0xFFFFFFF0];
	[tilespmem:v55+s16+$0x0] =	vst.idx.msk $0xffff, v54  }
0x69: {  	v62 =	vadd.s32 v3, v20;
	[tilespmem:v4+s16+$0x0] =	vst.idx.msk $0xffff, v58;
	v6 =	vld [tilespmem:s31+$0x30]  }
0x6a: {  	[tilespmem:v51+s16+$0x0] =	vst.idx.msk $0xffff, v50  }
0x6b: {  	[tilespmem:v60+s16+$0x0] =	vst.idx.msk $0xffff, v59  }
0x6c: {  	s24 =	sshll.u32 s22, $0x10;
	[tilespmem:v63+s16+$0x0] =	vst.idx.msk $0xffff, v5  }
0x6d: {  	s26 =	sadd.s32 s1, s24;
	[tilespmem:v61+s16+$0x0] =	vst.idx.msk $0xffff, v10  }
0x6e: {  	s26 =	sadd.s32 s4, s26;
	s31 =	simm.s32 $0xA400;
	[tilespmem:v62+s16+$0x0] =	vst.idx.msk $0xffff, v6  }
0x6f: {  	[hbm4b:s26+s3] =	stream.linear.scatter [tilespmem:s31], [sflag:$0x3], $0x80, $0x38;
	[tilespmem:$0xE800] =	vst v63  }
0x70: {  	s28 =	sadd.s32 $0x10, s26;
	s31 =	simm.s32 $0xA488  }
0x71: {  	[hbm4b:s28+s3] =	stream.linear.scatter [tilespmem:s31], [sflag:$0x3], $0x80, $0x38;
	[tilespmem:$0xE800] =	vst v63  }
0x72: {  	s31 =	simm.s32 $0xA510;
	s28 =	sadd.s32 $0x20, s26  }
0x73: {  	[hbm4b:s28+s3] =	stream.linear.scatter [tilespmem:s31], [sflag:$0x3], $0x80, $0x38;
	[tilespmem:$0xE800] =	vst v63  }
0x74: {  	s31 =	simm.s32 $0xA598;
	s28 =	sadd.s32 $0x30, s26  }
0x75: {  	[hbm4b:s28+s3] =	stream.linear.scatter [tilespmem:s31], [sflag:$0x3], $0x80, $0x38;
	[tilespmem:$0xE800] =	vst v63  }
0x76: {  	s31 =	simm.s32 $0xA620;
	s28 =	sadd.s32 $0x40, s26  }
0x77: {  	[hbm4b:s28+s3] =	stream.linear.scatter [tilespmem:s31], [sflag:$0x3], $0x80, $0x38;
	[tilespmem:$0xE800] =	vst v63  }
0x78: {  	s25 =	simm.s32 $0x440;
	s31 =	simm.s32 $0xA6A8;
	s28 =	sadd.s32 $0x50, s26  }
0x79: {  	[hbm4b:s28+s3] =	stream.linear.scatter [tilespmem:s31], [sflag:$0x3], $0x80, $0x38;
	[tilespmem:$0xE800] =	vst v63  }
0x7a: {  	s29 =	simm.s32 $0xA7B8;
	s31 =	simm.s32 $0xA730;
	s28 =	sadd.s32 $0x60, s26  }
0x7b: {  	[hbm4b:s28+s3] =	stream.linear.scatter [tilespmem:s31], [sflag:$0x3], $0x80, $0x38;
	[tilespmem:$0xE800] =	vst v63  }
0x7c: {  	s30 =	sadd.s32 $0x70, s26;
	s26 =	sadd.s32 $0x1000, s26;
	s28 =	simm.s32 $0x2200  }
.LBB2_5:
0x7d: {  	[hbm4b:s30+s3] =	stream.linear.scatter [tilespmem:s29], [sflag:$0x3], $0x80, $0x38;
	[tilespmem:$0xE800] =	vst v63  }
0x7e: {  	s29 =	smov.u32 s25;
	s25 =	smov.u32 s28  }
0x7f: {  	s31 =	sadd.s32 $0x1100, s28;
	s25 =	sshra.s32 s25, $0x2;
	s30 =	sadd.s32 $0xA400, s29  }
0x80: {  	[hbm4b:s26+s3] =	stream.linear.scatter [tilespmem:s30], [sflag:$0x3], $0x80, $0x38;
	[tilespmem:$0xE800] =	vst v63  }
0x81: {  	p1 =	sne.s32 s28, $0x7700;
	s28 =	sadd.s32 $0xA488, s29;
	s30 =	sadd.s32 $0x10, s26  }
0x82: {  	[hbm4b:s30+s3] =	stream.linear.scatter [tilespmem:s28], [sflag:$0x3], $0x80, $0x38;
	[tilespmem:$0xE800] =	vst v63  }
0x83: {  	s28 =	sadd.s32 $0xA510, s29;
	s30 =	sadd.s32 $0x20, s26  }
0x84: {  	[hbm4b:s30+s3] =	stream.linear.scatter [tilespmem:s28], [sflag:$0x3], $0x80, $0x38;
	[tilespmem:$0xE800] =	vst v63  }
0x85: {  	s28 =	sadd.s32 $0xA598, s29;
	s30 =	sadd.s32 $0x30, s26  }
0x86: {  	[hbm4b:s30+s3] =	stream.linear.scatter [tilespmem:s28], [sflag:$0x3], $0x80, $0x38;
	[tilespmem:$0xE800] =	vst v63  }
0x87: {  	s28 =	sadd.s32 $0xA620, s29;
	s30 =	sadd.s32 $0x40, s26  }
0x88: {  	[hbm4b:s30+s3] =	stream.linear.scatter [tilespmem:s28], [sflag:$0x3], $0x80, $0x38;
	[tilespmem:$0xE800] =	vst v63  }
.Ltmp3:
0x89: {  	s28 =	sadd.s32 $0xA6A8, s29;
	s30 =	sadd.s32 $0x50, s26;
	(pc) =	sbr.rel @p1 .LBB2_5-.Ltmp3, $4  }
0x8a: {  	[hbm4b:s30+s3] =	stream.linear.scatter [tilespmem:s28], [sflag:$0x3], $0x80, $0x38;
	[tilespmem:$0xE800] =	vst v63  }
0x8b: {  	s28 =	sadd.s32 $0xA730, s29;
	s30 =	sadd.s32 $0x60, s26;
	s29 =	sadd.s32 $0xA7B8, s29  }
0x8c: {  	[hbm4b:s30+s3] =	stream.linear.scatter [tilespmem:s28], [sflag:$0x3], $0x80, $0x38;
	[tilespmem:$0xE800] =	vst v63  }
0x8d: {  	s30 =	sadd.s32 $0x70, s26;
	s26 =	sadd.s32 $0x1000, s26;
	s28 =	smov.u32 s31  }
0x8e: {  	[hbm4b:s30+s3] =	stream.linear.scatter [tilespmem:s29], [sflag:$0x3], $0x80, $0x38;
	[tilespmem:$0xE800] =	vst v63  }
0x8f: {  	s28 =	sadd.s32 $0xA400, s25  }
0x90: {  	[hbm4b:s26+s3] =	stream.linear.scatter [tilespmem:s28], [sflag:$0x3], $0x80, $0x38;
	[tilespmem:$0xE800] =	vst v63  }
0x91: {  	s30 =	sadd.s32 $0xA488, s25;
	s31 =	sadd.s32 $0x10, s26  }
0x92: {  	[hbm4b:s31+s3] =	stream.linear.scatter [tilespmem:s30], [sflag:$0x3], $0x80, $0x38;
	[tilespmem:$0xE800] =	vst v63  }
0x93: {  	s30 =	sadd.s32 $0xA510, s25;
	s31 =	sadd.s32 $0x20, s26  }
0x94: {  	[hbm4b:s31+s3] =	stream.linear.scatter [tilespmem:s30], [sflag:$0x3], $0x80, $0x38;
	[tilespmem:$0xE800] =	vst v63  }
0x95: {  	s30 =	sadd.s32 $0xA598, s25;
	s31 =	sadd.s32 $0x30, s26  }
0x96: {  	[hbm4b:s31+s3] =	stream.linear.scatter [tilespmem:s30], [sflag:$0x3], $0x80, $0x38;
	[tilespmem:$0xE800] =	vst v63  }
0x97: {  	s30 =	sadd.s32 $0xA620, s25;
	s31 =	sadd.s32 $0x40, s26  }
0x98: {  	[hbm4b:s31+s3] =	stream.linear.scatter [tilespmem:s30], [sflag:$0x3], $0x80, $0x38;
	[tilespmem:$0xE800] =	vst v63  }
0x99: {  	p1 =	sne.s32 s22, $0x63;
	s30 =	sadd.s32 $0xA6A8, s25;
	s31 =	sadd.s32 $0x50, s26  }
0x9a: {  	[hbm4b:s31+s3] =	stream.linear.scatter [tilespmem:s30], [sflag:$0x3], $0x80, $0x38;
	[tilespmem:$0xE800] =	vst v63  }
.Ltmp4:
0x9b: {  	_ = 	snop;
	(pc) =	sbr.rel @p1 .LBB2_8-.Ltmp4, $4  }
0x9c: {  	s30 =	sadd.s32 $0xA730, s25;
	s31 =	sadd.s32 $0x60, s26  }
0x9d: {  	[hbm4b:s31+s3] =	stream.linear.scatter [tilespmem:s30], [sflag:$0x3], $0x80, $0x38;
	[tilespmem:$0xE800] =	vst v63  }
0x9e: {  	s30 =	sadd.s32 $0xA7B8, s25;
	s31 =	sadd.s32 $0x70, s26  }
0x9f: {  	[hbm4b:s31+s3] =	stream.linear.scatter [tilespmem:s30], [sflag:$0x3], $0x80, $0x38;
	[tilespmem:$0xE800] =	vst v63  }
.Ltmp5:
0xa0: {  	(pc) =	sbr.rel .LBB2_9-.Ltmp5, $4  }
0xa1: {  	_ = 	snop  }
0xa2: {  	_ =	swait.ge [sflag:s17], $0x2000  }
0xa3: {  	[sflag:s17] =	ssyncset.done $0x0  }
0xa4: {  	[sflag:s17] =	ssyncadd.s32 $0xFFFFE000  }
.LBB2_8:
0xa5: {  	s25 =	sshll.u32 s23, $0x7  }
0xa6: {  	s25 =	sadd.s32 $0x100, s25  }
.Ltmp6:
0xa7: {  	s25 =	sand.u32 $0xFF00, s25;
	(pc) =	sbr.rel @p0 .LBB2_10-.Ltmp6, $4  }
0xa8: {  	[tilespmem:s13], [sflag:$0x1] =	stream.indirect.gather [hbm4b:s5+s12], $0x40, s25, s12, $0xb8;
	[tilespmem:$0xE800] =	vst v63  }
0xa9: {  	_ =	swait.ge [sflag:s17], $0x2000  }
0xaa: {  	[sflag:s17] =	ssyncset.done $0x0  }
0xab: {  	[sflag:s17] =	ssyncadd.s32 $0xFFFFE000  }
.LBB2_9:
0xac: {  	_ =	swait.ge [sflag:s18], $0x2000  }
0xad: {  	[sflag:s18] =	ssyncset.done $0x0  }
0xae: {  	[sflag:s18] =	ssyncadd.s32 $0xFFFFE000  }
.LBB2_10:
0xaf: {  	s25 =	simm.s32 $0x3  }
0xb0: {  	s31 =	simm.s32 $0x0;
	v4 =	vmov s25  }
0xb1: {  	s26 =	simm.s32 $0x84F0;
	v5 =	vand.u32 $0x7F, v4;
	v4 =	vmov s31  }
0xb2: {  	v7 =	vld [tilespmem:s26+$0xFFFFFFD0];
	s31 =	simm.s32 $0x1;
	v8 =	vadd.s32 v0, v5;
	v6 =	vand.u32 $0x7C, v4  }
0xb3: {  	v9 =	vld [tilespmem:s26+$0xFFFFFF10];
	v4 =	vmov s31;
	v10 =	vadd.s32 v0, v6  }
0xb4: {  	s31 =	simm.s32 $0x2;
	v11 =	vand.u32 $0x7D, v4  }
0xb5: {  	v4 =	vld [tilespmem:s26+$0xFFFFFF50];
	v13 =	vmov s31;
	v12 =	vadd.s32 v0, v11  }
0xb6: {  	v13 =	vand.u32 $0x7E, v13  }
0xb7: {  	v14 =	vld [tilespmem:s26+$0xFFFFFF90];
	v15 =	vadd.s32 v0, v13;
	[tilespmem:v8+s19+$0x0] =	vst.idx.msk $0xffff, v7  }
0xb8: {  	v8 =	vadd.s32 v1, v5;
	v7 =	vld [tilespmem:s26+$0xFFFFFFE0];
	[tilespmem:v10+s19+$0x0] =	vst.idx.msk $0xffff, v9  }
0xb9: {  	v10 =	vadd.s32 v1, v6;
	v9 =	vld [tilespmem:s26+$0xFFFFFF20]  }
0xba: {  	[tilespmem:v12+s19+$0x0] =	vst.idx.msk $0xffff, v4  }
0xbb: {  	v12 =	vadd.s32 v1, v11;
	v4 =	vld [tilespmem:s26+$0xFFFFFF60]  }
0xbc: {  	[tilespmem:v15+s19+$0x0] =	vst.idx.msk $0xffff, v14  }
0xbd: {  	s31 =	simm.s32 $0x7;
	v16 =	vadd.s32 v1, v13;
	v15 =	vld [tilespmem:s26+$0xFFFFFFA0];
	[tilespmem:v8+s19+$0x0] =	vst.idx.msk $0xffff, v7  }
0xbe: {  	v14 =	vadd.s32 v2, v5;
	v8 =	vmov s31;
	v7 =	vld [tilespmem:s26+$0xFFFFFFF0];
	[tilespmem:v10+s19+$0x0] =	vst.idx.msk $0xffff, v9  }
0xbf: {  	s25 =	simm.s32 $0x85F0;
	v10 =	vadd.s32 v2, v6;
	v8 =	vand.u32 $0x7F, v8;
	v9 =	vld [tilespmem:s26+$0xFFFFFF30]  }
0xc0: {  	s28 =	simm.s32 $0x4;
	v18 =	vld [tilespmem:s25+$0xFFFFFFD0];
	[tilespmem:v12+s19+$0x0] =	vst.idx.msk $0xffff, v4;
	v19 =	vadd.s32 v0, v8  }
0xc1: {  	v17 =	vadd.s32 v2, v11;
	v4 =	vmov s28;
	s28 =	simm.s32 $0x5;
	v12 =	vld [tilespmem:s26+$0xFFFFFF70]  }
0xc2: {  	v4 =	vand.u32 $0x7C, v4;
	v22 =	vmov s28;
	s28 =	simm.s32 $0x6;
	[tilespmem:v16+s19+$0x0] =	vst.idx.msk $0xffff, v15  }
0xc3: {  	v20 =	vld [tilespmem:s25+$0xFFFFFF10];
	v21 =	vadd.s32 v0, v4;
	[tilespmem:v14+s19+$0x0] =	vst.idx.msk $0xffff, v7;
	v7 =	vand.u32 $0x7D, v22;
	v14 =	vmov s28  }
0xc4: {  	v16 =	vadd.s32 v3, v5;
	[tilespmem:v10+s19+$0x0] =	vst.idx.msk $0xffff, v9;
	v9 =	vld [tilespmem:s25+$0xFFFFFF50];
	v10 =	vadd.s32 v0, v7;
	v5 =	vand.u32 $0x7E, v14  }
0xc5: {  	v14 =	vld [tilespmem:s25+$0xFFFFFF90];
	[tilespmem:v19+s19+$0x0] =	vst.idx.msk $0xffff, v18;
	v63 =	vadd.s32 v0, v5  }
0xc6: {  	v18 =	vadd.s32 v2, v13;
	[tilespmem:v17+s19+$0x0] =	vst.idx.msk $0xffff, v12;
	v12 =	vld [tilespmem:s26+$0xFFFFFFB0]  }
0xc7: {  	v15 =	vld [tilespmem:s26+$0x0]  }
0xc8: {  	v19 =	vld [tilespmem:s25+$0xFFFFFFE0];
	[tilespmem:v21+s19+$0x0] =	vst.idx.msk $0xffff, v20;
	v20 =	vadd.s32 v1, v8  }
0xc9: {  	v23 =	vadd.s32 v1, v4;
	v21 =	vld [tilespmem:s25+$0xFFFFFF20];
	[tilespmem:v10+s19+$0x0] =	vst.idx.msk $0xffff, v9  }
0xca: {  	v25 =	vadd.s32 v3, v11;
	v24 =	vld [tilespmem:s26+$0xFFFFFF80];
	[tilespmem:v63+s19+$0x0] =	vst.idx.msk $0xffff, v14  }
0xcb: {  	v17 =	vld [tilespmem:s25+$0xFFFFFF60];
	[tilespmem:v18+s19+$0x0] =	vst.idx.msk $0xffff, v12;
	v18 =	vadd.s32 v1, v7  }
0xcc: {  	[tilespmem:v16+s19+$0x0] =	vst.idx.msk $0xffff, v15;
	v16 =	vadd.s32 v1, v5;
	v15 =	vld [tilespmem:s25+$0xFFFFFFA0]  }
0xcd: {  	v14 =	vadd.s32 v3, v13;
	[tilespmem:v20+s19+$0x0] =	vst.idx.msk $0xffff, v19;
	v11 =	vld [tilespmem:s26+$0xFFFFFFC0]  }
0xce: {  	v12 =	vadd.s32 v2, v8;
	[tilespmem:v23+s19+$0x0] =	vst.idx.msk $0xffff, v21;
	v9 =	vld [tilespmem:s25+$0xFFFFFFF0]  }
0xcf: {  	s30 =	simm.s32 $0xB;
	s29 =	simm.s32 $0xC;
	s28 =	simm.s32 $0x8;
	v13 =	vadd.s32 v2, v4;
	[tilespmem:v25+s19+$0x0] =	vst.idx.msk $0xffff, v24;
	v10 =	vld [tilespmem:s25+$0xFFFFFF30]  }
.LBB2_11:
0xd0: {  	p0 =	slt.u32 s29, $0x7C;
	v19 =	vmov s30;
	[tilespmem:v18+s19+$0x0] =	vst.idx.msk $0xffff, v17;
	v17 =	vld [tilespmem:s26+$0xFFFFFF40];
	v18 =	vadd.s32 v3, v6;
	v6 =	vmov v4;
	s26 =	smov.u32 s25  }
0xd1: {  	v4 =	vmov s28;
	v21 =	vadd.s32 v2, v7;
	s25 =	sadd.s32 $0x100, s25;
	v19 =	vand.u32 $0x7F, v19;
	v20 =	vld [tilespmem:s26+$0xFFFFFF70];
	[tilespmem:v16+s19+$0x0] =	vst.idx.msk $0xffff, v15  }
0xd2: {  	s30 =	sadd.s32 $0x1, s28;
	v4 =	vand.u32 $0x7C, v4;
	v15 =	vld [tilespmem:s25+$0xFFFFFFD0];
	v16 =	vadd.s32 v0, v19;
	[tilespmem:v14+s19+$0x0] =	vst.idx.msk $0xffff, v11  }
0xd3: {  	v22 =	vmov s30;
	s30 =	sadd.s32 $0x2, s28;
	s28 =	smov.u32 s29;
	v14 =	vadd.s32 v0, v4;
	v11 =	vld [tilespmem:s25+$0xFFFFFF10];
	[tilespmem:v12+s19+$0x0] =	vst.idx.msk $0xffff, v9  }
0xd4: {  	v9 =	vand.u32 $0x7D, v22;
	v12 =	vmov s30;
	[tilespmem:v13+s19+$0x0] =	vst.idx.msk $0xffff, v10;
	v10 =	vld [tilespmem:s26+$0x0];
	v13 =	vadd.s32 v3, v8;
	v8 =	vmovc v19  }
0xd5: {  	v22 =	vadd.s32 v0, v9;
	v12 =	vand.u32 $0x7E, v12;
	v19 =	vld [tilespmem:s25+$0xFFFFFF50];
	[tilespmem:v18+s19+$0x0] =	vst.idx.msk $0xffff, v17  }
0xd6: {  	v24 =	vadd.s32 v0, v12;
	v23 =	vld [tilespmem:s25+$0xFFFFFF90];
	[tilespmem:v21+s19+$0x0] =	vst.idx.msk $0xffff, v20  }
0xd7: {  	v21 =	vadd.s32 v2, v5;
	[tilespmem:v16+s19+$0x0] =	vst.idx.msk $0xffff, v15;
	v20 =	vld [tilespmem:s26+$0xFFFFFFB0]  }
0xd8: {  	[tilespmem:v14+s19+$0x0] =	vst.idx.msk $0xffff, v11;
	v11 =	vld [tilespmem:s25+$0xFFFFFFE0];
	v14 =	vadd.s32 v1, v8  }
0xd9: {  	v26 =	vadd.s32 v1, v4;
	v25 =	vld [tilespmem:s25+$0xFFFFFF20];
	[tilespmem:v13+s19+$0x0] =	vst.idx.msk $0xffff, v10  }
0xda: {  	[tilespmem:v22+s19+$0x0] =	vst.idx.msk $0xffff, v19;
	v19 =	vld [tilespmem:s26+$0xFFFFFF80];
	v22 =	vadd.s32 v3, v7;
	v7 =	vmov v9  }
.Ltmp7:
0xdb: {  	v17 =	vld [tilespmem:s25+$0xFFFFFF60];
	v18 =	vadd.s32 v1, v7;
	[tilespmem:v24+s19+$0x0] =	vst.idx.msk $0xffff, v23;
	(pc) =	sbr.rel @p0 .LBB2_11-.Ltmp7, $4  }
0xdc: {  	v16 =	vadd.s32 v1, v12;
	v15 =	vld [tilespmem:s25+$0xFFFFFFA0];
	[tilespmem:v21+s19+$0x0] =	vst.idx.msk $0xffff, v20  }
0xdd: {  	[tilespmem:v14+s19+$0x0] =	vst.idx.msk $0xffff, v11;
	v11 =	vld [tilespmem:s26+$0xFFFFFFC0];
	v14 =	vadd.s32 v3, v5;
	v5 =	vmov v12  }
0xde: {  	v12 =	vadd.s32 v2, v8;
	[tilespmem:v26+s19+$0x0] =	vst.idx.msk $0xffff, v25;
	v9 =	vld [tilespmem:s25+$0xFFFFFFF0]  }
0xdf: {  	s29 =	sadd.s32 $0x4, s29;
	s30 =	sadd.s32 $0x3, s28;
	v13 =	vadd.s32 v2, v4;
	v10 =	vld [tilespmem:s25+$0xFFFFFF30];
	[tilespmem:v22+s19+$0x0] =	vst.idx.msk $0xffff, v19  }
0xe0: {  	_ =	sdelay $0x2  }
0xe1: {  	v19 =	vmov s30  }
0xe2: {  	s29 =	sadd.s32 $0x1, s28;
	[tilespmem:v18+s19+$0x0] =	vst.idx.msk $0xffff, v17;
	v30 =	vld [tilespmem:s26+$0xFFFFFF40];
	v6 =	vadd.s32 v3, v6;
	s31 =	sadd.s32 $0x100, s25;
	v21 =	vmov s28;
	v31 =	vand.u32 $0x7F, v19  }
0xe3: {  	v32 =	vmov s29;
	s29 =	sadd.s32 $0x2, s28;
	[tilespmem:v16+s19+$0x0] =	vst.idx.msk $0xffff, v15;
	v33 =	vld [tilespmem:s31+$0xFFFFFFD0];
	v21 =	vand.u32 $0x7C, v21;
	v34 =	vadd.s32 v0, v31  }
0xe4: {  	v22 =	vld [tilespmem:s31+$0xFFFFFF10];
	v19 =	vand.u32 $0x7D, v32;
	v20 =	vmov s29;
	[tilespmem:v14+s19+$0x0] =	vst.idx.msk $0xffff, v11;
	v39 =	vadd.s32 v0, v21  }
0xe5: {  	v35 =	vld [tilespmem:s31+$0xFFFFFF50];
	v36 =	vadd.s32 v0, v19;
	v20 =	vand.u32 $0x7E, v20;
	[tilespmem:v12+s19+$0x0] =	vst.idx.msk $0xffff, v9  }
0xe6: {  	v37 =	vld [tilespmem:s31+$0xFFFFFF90];
	v38 =	vadd.s32 v0, v20;
	[tilespmem:v13+s19+$0x0] =	vst.idx.msk $0xffff, v10  }
0xe7: {  	v41 =	vadd.s32 v2, v7;
	v40 =	vld [tilespmem:s25+$0xFFFFFF70];
	[tilespmem:v6+s19+$0x0] =	vst.idx.msk $0xffff, v30  }
0xe8: {  	v49 =	vadd.s32 v2, v5;
	v48 =	vld [tilespmem:s25+$0xFFFFFFB0];
	[tilespmem:v34+s19+$0x0] =	vst.idx.msk $0xffff, v33  }
0xe9: {  	v43 =	vadd.s32 v1, v31;
	[tilespmem:v39+s19+$0x0] =	vst.idx.msk $0xffff, v22;
	v15 =	vld [tilespmem:s31+$0xFFFFFFE0]  }
0xea: {  	v47 =	vadd.s32 v1, v21;
	[tilespmem:v36+s19+$0x0] =	vst.idx.msk $0xffff, v35;
	v46 =	vld [tilespmem:s31+$0xFFFFFF20]  }
0xeb: {  	v44 =	vadd.s32 v1, v19;
	v11 =	vld [tilespmem:s31+$0xFFFFFF60];
	[tilespmem:v38+s19+$0x0] =	vst.idx.msk $0xffff, v37  }
0xec: {  	v45 =	vadd.s32 v1, v20;
	[tilespmem:v41+s19+$0x0] =	vst.idx.msk $0xffff, v40;
	v9 =	vld [tilespmem:s31+$0xFFFFFFA0]  }
0xed: {  	v8 =	vadd.s32 v3, v8;
	v42 =	vld [tilespmem:s25+$0x0];
	[tilespmem:v49+s19+$0x0] =	vst.idx.msk $0xffff, v48  }
0xee: {  	v5 =	vadd.s32 v3, v5;
	v13 =	vld [tilespmem:s25+$0xFFFFFFC0];
	[tilespmem:v43+s19+$0x0] =	vst.idx.msk $0xffff, v15  }
0xef: {  	v52 =	vadd.s32 v2, v31;
	[tilespmem:v47+s19+$0x0] =	vst.idx.msk $0xffff, v46;
	v15 =	vld [tilespmem:s31+$0xFFFFFFF0]  }
0xf0: {  	v57 =	vadd.s32 v2, v21;
	[tilespmem:v44+s19+$0x0] =	vst.idx.msk $0xffff, v11;
	v56 =	vld [tilespmem:s31+$0xFFFFFF30]  }
0xf1: {  	v53 =	vadd.s32 v2, v19;
	v11 =	vld [tilespmem:s31+$0xFFFFFF70];
	[tilespmem:v45+s19+$0x0] =	vst.idx.msk $0xffff, v9  }
0xf2: {  	v55 =	vadd.s32 v2, v20;
	[tilespmem:v8+s19+$0x0] =	vst.idx.msk $0xffff, v42;
	v54 =	vld [tilespmem:s31+$0xFFFFFFB0]  }
0xf3: {  	v4 =	vadd.s32 v3, v4;
	v58 =	vld [tilespmem:s25+$0xFFFFFF40];
	[tilespmem:v5+s19+$0x0] =	vst.idx.msk $0xffff, v13  }
0xf4: {  	v51 =	vadd.s32 v3, v7;
	v50 =	vld [tilespmem:s25+$0xFFFFFF80];
	[tilespmem:v52+s19+$0x0] =	vst.idx.msk $0xffff, v15  }
0xf5: {  	v60 =	vadd.s32 v3, v31;
	[tilespmem:v57+s19+$0x0] =	vst.idx.msk $0xffff, v56;
	v59 =	vld [tilespmem:s31+$0x0]  }
0xf6: {  	v63 =	vadd.s32 v3, v21;
	[tilespmem:v53+s19+$0x0] =	vst.idx.msk $0xffff, v11;
	v5 =	vld [tilespmem:s31+$0xFFFFFF40]  }
0xf7: {  	v61 =	vadd.s32 v3, v19;
	v11 =	vld [tilespmem:s31+$0xFFFFFF80];
	[tilespmem:v55+s19+$0x0] =	vst.idx.msk $0xffff, v54  }
0xf8: {  	v62 =	vadd.s32 v3, v20;
	[tilespmem:v4+s19+$0x0] =	vst.idx.msk $0xffff, v58;
	v6 =	vld [tilespmem:s31+$0xFFFFFFC0]  }
0xf9: {  	[tilespmem:v51+s19+$0x0] =	vst.idx.msk $0xffff, v50  }
0xfa: {  	[tilespmem:v60+s19+$0x0] =	vst.idx.msk $0xffff, v59  }
0xfb: {  	[tilespmem:v63+s19+$0x0] =	vst.idx.msk $0xffff, v5  }
0xfc: {  	s24 =	sadd.s32 s24, s7;
	[tilespmem:v61+s19+$0x0] =	vst.idx.msk $0xffff, v11  }
0xfd: {  	s26 =	simm.s32 $0xC600;
	s25 =	sadd.s32 s4, s24;
	[tilespmem:v62+s19+$0x0] =	vst.idx.msk $0xffff, v6  }
0xfe: {  	[hbm4b:s25+s3] =	stream.linear.scatter [tilespmem:s26], [sflag:$0x4], $0x80, $0x38;
	[tilespmem:$0xE800] =	vst v63  }
0xff: {  	s30 =	simm.s32 $0xC688;
	s31 =	sadd.s32 $0x10, s25  }
0x100: {  	[hbm4b:s31+s3] =	stream.linear.scatter [tilespmem:s30], [sflag:$0x4], $0x80, $0x38;
	[tilespmem:$0xE800] =	vst v63  }
0x101: {  	s28 =	simm.s32 $0xC9B8;
	s30 =	simm.s32 $0xC710;
	s31 =	sadd.s32 $0x20, s25  }
0x102: {  	[hbm4b:s31+s3] =	stream.linear.scatter [tilespmem:s30], [sflag:$0x4], $0x80, $0x38;
	[tilespmem:$0xE800] =	vst v63  }
0x103: {  	s24 =	simm.s32 $0x440;
	s30 =	simm.s32 $0xC798;
	s31 =	sadd.s32 $0x30, s25  }
0x104: {  	[hbm4b:s31+s3] =	stream.linear.scatter [tilespmem:s30], [sflag:$0x4], $0x80, $0x38;
	[tilespmem:$0xE800] =	vst v63  }
0x105: {  	s29 =	sadd.s32 $0x70, s25;
	s30 =	simm.s32 $0xC820;
	s31 =	sadd.s32 $0x40, s25  }
0x106: {  	[hbm4b:s31+s3] =	stream.linear.scatter [tilespmem:s30], [sflag:$0x4], $0x80, $0x38;
	[tilespmem:$0xE800] =	vst v63  }
0x107: {  	s26 =	simm.s32 $0x2200;
	s30 =	simm.s32 $0xC8A8;
	s31 =	sadd.s32 $0x50, s25  }
0x108: {  	[hbm4b:s31+s3] =	stream.linear.scatter [tilespmem:s30], [sflag:$0x4], $0x80, $0x38;
	[tilespmem:$0xE800] =	vst v63  }
0x109: {  	s30 =	simm.s32 $0xC930;
	s31 =	sadd.s32 $0x60, s25;
	s25 =	sadd.s32 $0x1000, s25  }
0x10a: {  	[hbm4b:s31+s3] =	stream.linear.scatter [tilespmem:s30], [sflag:$0x4], $0x80, $0x38;
	[tilespmem:$0xE800] =	vst v63  }
.LBB2_13:
0x10b: {  	[hbm4b:s29+s3] =	stream.linear.scatter [tilespmem:s28], [sflag:$0x4], $0x80, $0x38;
	[tilespmem:$0xE800] =	vst v63  }
0x10c: {  	s28 =	smov.u32 s24;
	s24 =	smov.u32 s26  }
0x10d: {  	s30 =	sadd.s32 $0x1100, s26;
	s24 =	sshra.s32 s24, $0x2;
	s29 =	sadd.s32 $0xC600, s28  }
0x10e: {  	[hbm4b:s25+s3] =	stream.linear.scatter [tilespmem:s29], [sflag:$0x4], $0x80, $0x38;
	[tilespmem:$0xE800] =	vst v63  }
0x10f: {  	p0 =	sne.s32 s26, $0x7700;
	s26 =	sadd.s32 $0xC688, s28;
	s29 =	sadd.s32 $0x10, s25  }
0x110: {  	[hbm4b:s29+s3] =	stream.linear.scatter [tilespmem:s26], [sflag:$0x4], $0x80, $0x38;
	[tilespmem:$0xE800] =	vst v63  }
0x111: {  	s26 =	sadd.s32 $0xC710, s28;
	s29 =	sadd.s32 $0x20, s25  }
0x112: {  	[hbm4b:s29+s3] =	stream.linear.scatter [tilespmem:s26], [sflag:$0x4], $0x80, $0x38;
	[tilespmem:$0xE800] =	vst v63  }
0x113: {  	s26 =	sadd.s32 $0xC798, s28;
	s29 =	sadd.s32 $0x30, s25  }
0x114: {  	[hbm4b:s29+s3] =	stream.linear.scatter [tilespmem:s26], [sflag:$0x4], $0x80, $0x38;
	[tilespmem:$0xE800] =	vst v63  }
0x115: {  	s26 =	sadd.s32 $0xC820, s28;
	s29 =	sadd.s32 $0x40, s25  }
0x116: {  	[hbm4b:s29+s3] =	stream.linear.scatter [tilespmem:s26], [sflag:$0x4], $0x80, $0x38;
	[tilespmem:$0xE800] =	vst v63  }
.Ltmp8:
0x117: {  	s26 =	sadd.s32 $0xC8A8, s28;
	s29 =	sadd.s32 $0x50, s25;
	(pc) =	sbr.rel @p0 .LBB2_13-.Ltmp8, $4  }
0x118: {  	[hbm4b:s29+s3] =	stream.linear.scatter [tilespmem:s26], [sflag:$0x4], $0x80, $0x38;
	[tilespmem:$0xE800] =	vst v63  }
0x119: {  	s26 =	sadd.s32 $0xC930, s28;
	s29 =	sadd.s32 $0x60, s25;
	s28 =	sadd.s32 $0xC9B8, s28  }
0x11a: {  	[hbm4b:s29+s3] =	stream.linear.scatter [tilespmem:s26], [sflag:$0x4], $0x80, $0x38;
	[tilespmem:$0xE800] =	vst v63  }
0x11b: {  	s29 =	sadd.s32 $0x70, s25;
	s25 =	sadd.s32 $0x1000, s25;
	s26 =	smov.u32 s30  }
0x11c: {  	[hbm4b:s29+s3] =	stream.linear.scatter [tilespmem:s28], [sflag:$0x4], $0x80, $0x38;
	[tilespmem:$0xE800] =	vst v63  }
0x11d: {  	s26 =	sadd.s32 $0xC600, s24  }
0x11e: {  	[hbm4b:s25+s3] =	stream.linear.scatter [tilespmem:s26], [sflag:$0x4], $0x80, $0x38;
	[tilespmem:$0xE800] =	vst v63  }
0x11f: {  	s30 =	sadd.s32 $0xC688, s24;
	s31 =	sadd.s32 $0x10, s25  }
0x120: {  	[hbm4b:s31+s3] =	stream.linear.scatter [tilespmem:s30], [sflag:$0x4], $0x80, $0x38;
	[tilespmem:$0xE800] =	vst v63  }
0x121: {  	s29 =	sadd.s32 $0xC710, s24;
	s30 =	sadd.s32 $0x20, s25  }
0x122: {  	[hbm4b:s30+s3] =	stream.linear.scatter [tilespmem:s29], [sflag:$0x4], $0x80, $0x38;
	[tilespmem:$0xE800] =	vst v63  }
0x123: {  	s31 =	sadd.s32 $0xC798, s24;
	s29 =	sadd.s32 $0x30, s25  }
0x124: {  	[hbm4b:s29+s3] =	stream.linear.scatter [tilespmem:s31], [sflag:$0x4], $0x80, $0x38;
	[tilespmem:$0xE800] =	vst v63  }
0x125: {  	s30 =	sadd.s32 $0xC820, s24;
	s31 =	sadd.s32 $0x40, s25  }
0x126: {  	[hbm4b:s31+s3] =	stream.linear.scatter [tilespmem:s30], [sflag:$0x4], $0x80, $0x38;
	[tilespmem:$0xE800] =	vst v63  }
0x127: {  	p0 =	seq.s32 s22, $0x63;
	s29 =	sadd.s32 $0xC8A8, s24;
	s30 =	sadd.s32 $0x50, s25  }
0x128: {  	[hbm4b:s30+s3] =	stream.linear.scatter [tilespmem:s29], [sflag:$0x4], $0x80, $0x38;
	[tilespmem:$0xE800] =	vst v63  }
.Ltmp9:
0x129: {  	_ = 	snop;
	(pc) =	sbr.rel @p0 .LBB2_16-.Ltmp9, $4  }
0x12a: {  	s31 =	sadd.s32 $0xC930, s24;
	s29 =	sadd.s32 $0x60, s25  }
0x12b: {  	[hbm4b:s29+s3] =	stream.linear.scatter [tilespmem:s31], [sflag:$0x4], $0x80, $0x38;
	[tilespmem:$0xE800] =	vst v63  }
0x12c: {  	s30 =	sadd.s32 $0xC9B8, s24;
	s31 =	sadd.s32 $0x70, s25  }
0x12d: {  	[hbm4b:s31+s3] =	stream.linear.scatter [tilespmem:s30], [sflag:$0x4], $0x80, $0x38;
	[tilespmem:$0xE800] =	vst v63  }
.Ltmp10:
0x12e: {  	(pc) =	sbr.rel .LBB2_2-.Ltmp10, $4  }
0x12f: {  	s23 =	sshll.u32 s23, $0x7  }
0x130: {  	s23 =	sadd.s32 $0x180, s23  }
0x131: {  	s22 =	sadd.s32 $0x1, s22;
	s23 =	sand.u32 $0xFF80, s23  }
0x132: {  	[tilespmem:s14], [sflag:$0x2] =	stream.indirect.gather [hbm4b:s5+s12], $0x40, s23, s12, $0xb8;
	[tilespmem:$0xE800] =	vst v63  }
.LBB2_17:
0x133: {  	_ =	sfence.sel $0x180000  }
0x134: {  	[bflag:$0x0] =	sbarrier.arrive $0xFFFF  }
0x135: {  	p0 =	sne.s32 s2, $0x0;
	_ =	strace $0x90000047  }
0x136: {  	s0 =	sadd.s32 @!p0 $0x100000, s0;
	[bflag:$0x2] =	sbarrier.arrive $0xFFFF  }
0x137: {  	[sflag:s0] =	ssyncadd.tile.s32 @!p0 $0x1;
	_ =	shalt  }
.Lfunc_end2:
_tile_overlayer_lowered:
.L_overlay_start_2:
0x138: {  	(tag) =	ssettag $0x2  }
0x139: {  	s0 =	rddreg [dreg:$0x0];
	s2 =	stileid.u32  }
0x13a: {  	s1 =	rddreg [dreg:$0x1];
	p0 =	sne.s32 s2, $0x0  }
0x13b: {  	s3 =	rddreg [dreg:$0x2];
	[bflag:$0x3] =	sbarrier.arrive $0xFFFF;
	s2 =	simm.s32 @!p0 $0x1C05  }
0x13c: {  	[timem:s3], [sflag:s2] =	dma.local @!p0 [hbm:s0], s1  }
0x13d: {  	s0 =	simm.s32 @!p0 $0x5  }
0x13e: {  	_ =	swait.ge @!p0 [sflag:s0], s1  }
0x13f: {  	s1 =	ssub.s32 @!p0 $0x0, s1;
	[sflag:s0] =	ssyncset.done @!p0 $0x0  }
0x140: {  	[sflag:s0] =	ssyncadd.s32 @!p0 s1  }
0x141: {  	[bflag:$0x3] =	sbarrier.arrive $0xFFFF  }
0x142: {  	_ =	shalt  }

</sc_bundles>
